<compile_context>
chip_gen: v7x
topology: tpu7x:2x2x1
jax: 0.10.2.dev20260603
libtpu: 0.0.44.dev20260713+nightly
codegen_flags: <defaults>
</compile_context>

<pallas_src>
import functools

import jax
import jax.numpy as jnp
from jax import lax
from jax.experimental import pallas as pl
from jax.experimental.pallas import tpu as pltpu
from jax.experimental.pallas import tpu_sc as plsc

_NBUF = 8
_W = 400


def _emb_lookup(weight, ids_flat):
    T, = ids_flat.shape
    _, D = weight.shape
    info = plsc.get_sparse_core_info()
    num_cores = info.num_cores
    nw = num_cores * info.num_subcores
    tpw = T // nw
    wins = tpw // _W
    assert tpw % _W == 0 and wins % _NBUF == 0
    rounds = wins // _NBUF

    mesh = plsc.VectorSubcoreMesh(core_axis_name="c", subcore_axis_name="s")

    @functools.partial(
        pl.kernel,
        mesh=mesh,
        compiler_params=pltpu.CompilerParams(
            use_tc_tiling_on_sc=False, needs_layout_passes=False),
        out_type=jax.ShapeDtypeStruct((T, D), jnp.float32),
        scratch_types=[
            [pltpu.VMEM((_W,), jnp.int32) for _ in range(_NBUF)],
            [pltpu.VMEM((_W, D), jnp.float32) for _ in range(_NBUF)],
            [pltpu.SemaphoreType.DMA for _ in range(_NBUF)],
            [pltpu.SemaphoreType.DMA for _ in range(_NBUF)],
        ],
    )
    def emb(w_hbm, idx_hbm, out_hbm, idx_v, rows_v, gsem, ssem):
        wid = lax.axis_index("s") * num_cores + lax.axis_index("c")
        t0 = wid * tpw

        def fire(g, ib):
            pltpu.sync_copy(idx_hbm.at[pl.ds(t0 + g * _W, _W)], idx_v[ib])
            pltpu.async_copy(w_hbm.at[idx_v[ib]], rows_v[ib], gsem[ib])

        def wait_gather(ib):
            pltpu.make_async_copy(
                w_hbm.at[idx_v[ib]], rows_v[ib], gsem[ib]).wait()

        def store(g, ib):
            pltpu.async_copy(
                rows_v[ib], out_hbm.at[pl.ds(t0 + g * _W, _W)], ssem[ib])

        def wait_store(ib):
            pltpu.make_async_copy(
                rows_v[ib], out_hbm.at[pl.ds(t0, _W)], ssem[ib]).wait()

        for b in range(_NBUF - 1):
            fire(b, b)

        def body(r, carry):
            for b in range(_NBUF):
                g = r * _NBUF + b
                wait_gather(b)
                store(g, b)
                ibf = (b - 1) % _NBUF
                gf = g + _NBUF - 1

                @pl.when(gf < wins)
                def _():
                    @pl.when(gf >= _NBUF)
                    def _():
                        wait_store(ibf)

                    fire(gf, ibf)

            return carry

        lax.fori_loop(0, rounds, body, 0)
        for b in range(_NBUF):
            wait_store(b)

    return emb(weight, ids_flat)


def kernel(token_ids, weight):
    B, H = token_ids.shape
    D = weight.shape[1]
    out = _emb_lookup(weight, token_ids.astype(jnp.int32).reshape(B * H))
    return out.reshape(B, H, D)

# --- scband reference (transcript-rebuilt; emitter-appended) ---
"""Pipeline reference for scband-embedding-86251533238508 (READ-ONLY COPY).

The authoritative reference and input builder live on the scoring server;
editing this copy changes nothing except your own understanding.
"""

import jax, jax.numpy as jnp
import numpy as np

NUM_EMBEDDINGS = 1000000
EMBEDDING_DIM = 32
BATCH = 16384
HIST_LEN = 200

def setup_inputs(seed: int = 0) -> dict:
    key = jax.random.key(seed)
    k1, k2 = jax.random.split(key)
    token_ids = jax.random.randint(k1, (BATCH, HIST_LEN), 0, NUM_EMBEDDINGS, dtype=jnp.int64 if jax.config.jax_enable_x64 else jnp.int32)
    weight = jax.random.normal(k2, (NUM_EMBEDDINGS, EMBEDDING_DIM), dtype=jnp.float32) * 0.02
    return {"token_ids": token_ids, "weight": weight}

def reference(token_ids, weight):
    # Faithful translation of: return self.weight[token_ids]
    return jnp.take(weight, token_ids, axis=0)

if __name__ == "__main__":
    import jax
    _d = setup_inputs()
    print(jax.jit(kernel)(*tuple(_d.values())))

</pallas_src>

<mosaic_0001>
#map = affine_map<(d0, d1) -> (0, 0)>
#map1 = affine_map<(d0, d1) -> (0)>
module attributes {stable_mosaic.version = 14 : i64} {
  func.func @emb(%arg0: i32, %arg1: i32, %arg2: memref<1000000x32xf32, #tpu.memory_space<hbm>>, %arg3: memref<3276800xi32, #tpu.memory_space<hbm>>, %arg4: memref<3276800x32xf32, #tpu.memory_space<hbm>>, %arg5: memref<400xi32, #tpu.memory_space<vmem>>, %arg6: memref<400xi32, #tpu.memory_space<vmem>>, %arg7: memref<400xi32, #tpu.memory_space<vmem>>, %arg8: memref<400xi32, #tpu.memory_space<vmem>>, %arg9: memref<400xi32, #tpu.memory_space<vmem>>, %arg10: memref<400xi32, #tpu.memory_space<vmem>>, %arg11: memref<400xi32, #tpu.memory_space<vmem>>, %arg12: memref<400xi32, #tpu.memory_space<vmem>>, %arg13: memref<400x32xf32, #tpu.memory_space<vmem>>, %arg14: memref<400x32xf32, #tpu.memory_space<vmem>>, %arg15: memref<400x32xf32, #tpu.memory_space<vmem>>, %arg16: memref<400x32xf32, #tpu.memory_space<vmem>>, %arg17: memref<400x32xf32, #tpu.memory_space<vmem>>, %arg18: memref<400x32xf32, #tpu.memory_space<vmem>>, %arg19: memref<400x32xf32, #tpu.memory_space<vmem>>, %arg20: memref<400x32xf32, #tpu.memory_space<vmem>>, %arg21: memref<!tpu.dma_semaphore, #tpu.memory_space<semaphore_mem>>, %arg22: memref<!tpu.dma_semaphore, #tpu.memory_space<semaphore_mem>>, %arg23: memref<!tpu.dma_semaphore, #tpu.memory_space<semaphore_mem>>, %arg24: memref<!tpu.dma_semaphore, #tpu.memory_space<semaphore_mem>>, %arg25: memref<!tpu.dma_semaphore, #tpu.memory_space<semaphore_mem>>, %arg26: memref<!tpu.dma_semaphore, #tpu.memory_space<semaphore_mem>>, %arg27: memref<!tpu.dma_semaphore, #tpu.memory_space<semaphore_mem>>, %arg28: memref<!tpu.dma_semaphore, #tpu.memory_space<semaphore_mem>>, %arg29: memref<!tpu.dma_semaphore, #tpu.memory_space<semaphore_mem>>, %arg30: memref<!tpu.dma_semaphore, #tpu.memory_space<semaphore_mem>>, %arg31: memref<!tpu.dma_semaphore, #tpu.memory_space<semaphore_mem>>, %arg32: memref<!tpu.dma_semaphore, #tpu.memory_space<semaphore_mem>>, %arg33: memref<!tpu.dma_semaphore, #tpu.memory_space<semaphore_mem>>, %arg34: memref<!tpu.dma_semaphore, #tpu.memory_space<semaphore_mem>>, %arg35: memref<!tpu.dma_semaphore, #tpu.memory_space<semaphore_mem>>, %arg36: memref<!tpu.dma_semaphore, #tpu.memory_space<semaphore_mem>>) attributes {dimension_semantics = [#tpu.dimension_semantics<core_parallel>, #tpu.dimension_semantics<subcore_parallel>], iteration_bounds = array<i64: 2, 16>, scalar_prefetch = 0 : i64, scratch_operands = 32 : i64, tpu.core_type = #tpu.core_type<sc_vector_subcore>, window_params = [{transform_indices = #map}, {transform_indices = #map1}, {transform_indices = #map}]} {
    %mul3A = arith.constant 2 : i32
    %mul3A_0 = arith.muli %arg1, %mul3A : i32
    %add3A = arith.addi %mul3A_0, %arg0 : i32
    %mul3A_1 = arith.constant 102400 : i32
    %mul3A_2 = arith.muli %add3A, %mul3A_1 : i32
    %add3A_3 = arith.constant 0 : i32
    %add3A_4 = arith.addi %mul3A_2, %add3A_3 : i32
    "tpu.region"() ({
      %run_scoped3A = tpu.sem_alloc : memref<!tpu.dma_semaphore, #tpu.memory_space<semaphore_mem>>
      %dma_start3A_73 = tpu.memref_slice %arg3[%add3A_4] : memref<3276800xi32, #tpu.memory_space<hbm>> -> memref<400xi32, #tpu.memory_space<hbm>>
      %dma_start3A_74 = tpu.memref_slice %arg3[%add3A_4] : memref<3276800xi32, #tpu.memory_space<hbm>> -> memref<400xi32, #tpu.memory_space<hbm>>
      tpu.enqueue_dma source(%dma_start3A_74 : memref<400xi32, #tpu.memory_space<hbm>>) target(%arg5 : memref<400xi32, #tpu.memory_space<vmem>>) target_semaphore(%run_scoped3A : memref<!tpu.dma_semaphore, #tpu.memory_space<semaphore_mem>>)
      %dma_wait3A_75 = tpu.memref_slice %arg3[%add3A_4] : memref<3276800xi32, #tpu.memory_space<hbm>> -> memref<400xi32, #tpu.memory_space<hbm>>
      %dma_wait3A_76 = tpu.memref_slice %arg3[%add3A_4] : memref<3276800xi32, #tpu.memory_space<hbm>> -> memref<400xi32, #tpu.memory_space<hbm>>
      tpu.wait_dma2 semaphore(%run_scoped3A : memref<!tpu.dma_semaphore, #tpu.memory_space<semaphore_mem>>) src(%dma_wait3A_76 : memref<400xi32, #tpu.memory_space<hbm>>) dst(%arg5 : memref<400xi32, #tpu.memory_space<vmem>>)
      tpu.yield
    }) : () -> ()
    %dma_start3A = arith.constant 0 : i32
    %dma_start3A_5 = arith.constant 0 : i32
    %dma_start3A_6 = tpu.memref_slice %arg2[%dma_start3A, %dma_start3A_5] : memref<1000000x32xf32, #tpu.memory_space<hbm>> -> memref<1000000x32xf32, #tpu.memory_space<hbm>>
    tpu.enqueue_indirect_dma source(%dma_start3A_6 : memref<1000000x32xf32, #tpu.memory_space<hbm>>) target(%arg13 : memref<400x32xf32, #tpu.memory_space<vmem>>) offsets(%arg5 : memref<400xi32, #tpu.memory_space<vmem>>) semaphore(%arg21 : memref<!tpu.dma_semaphore, #tpu.memory_space<semaphore_mem>>)
    %add3A_7 = arith.constant 400 : i32
    %add3A_8 = arith.addi %mul3A_2, %add3A_7 : i32
    "tpu.region"() ({
      %run_scoped3A = tpu.sem_alloc : memref<!tpu.dma_semaphore, #tpu.memory_space<semaphore_mem>>
      %dma_start3A_73 = tpu.memref_slice %arg3[%add3A_8] : memref<3276800xi32, #tpu.memory_space<hbm>> -> memref<400xi32, #tpu.memory_space<hbm>>
      %dma_start3A_74 = tpu.memref_slice %arg3[%add3A_8] : memref<3276800xi32, #tpu.memory_space<hbm>> -> memref<400xi32, #tpu.memory_space<hbm>>
      tpu.enqueue_dma source(%dma_start3A_74 : memref<400xi32, #tpu.memory_space<hbm>>) target(%arg6 : memref<400xi32, #tpu.memory_space<vmem>>) target_semaphore(%run_scoped3A : memref<!tpu.dma_semaphore, #tpu.memory_space<semaphore_mem>>)
      %dma_wait3A_75 = tpu.memref_slice %arg3[%add3A_8] : memref<3276800xi32, #tpu.memory_space<hbm>> -> memref<400xi32, #tpu.memory_space<hbm>>
      %dma_wait3A_76 = tpu.memref_slice %arg3[%add3A_8] : memref<3276800xi32, #tpu.memory_space<hbm>> -> memref<400xi32, #tpu.memory_space<hbm>>
      tpu.wait_dma2 semaphore(%run_scoped3A : memref<!tpu.dma_semaphore, #tpu.memory_space<semaphore_mem>>) src(%dma_wait3A_76 : memref<400xi32, #tpu.memory_space<hbm>>) dst(%arg6 : memref<400xi32, #tpu.memory_space<vmem>>)
      tpu.yield
    }) : () -> ()
    %dma_start3A_9 = arith.constant 0 : i32
    %dma_start3A_10 = arith.constant 0 : i32
    %dma_start3A_11 = tpu.memref_slice %arg2[%dma_start3A_9, %dma_start3A_10] : memref<1000000x32xf32, #tpu.memory_space<hbm>> -> memref<1000000x32xf32, #tpu.memory_space<hbm>>
    tpu.enqueue_indirect_dma source(%dma_start3A_11 : memref<1000000x32xf32, #tpu.memory_space<hbm>>) target(%arg14 : memref<400x32xf32, #tpu.memory_space<vmem>>) offsets(%arg6 : memref<400xi32, #tpu.memory_space<vmem>>) semaphore(%arg22 : memref<!tpu.dma_semaphore, #tpu.memory_space<semaphore_mem>>)
    %add3A_12 = arith.constant 800 : i32
    %add3A_13 = arith.addi %mul3A_2, %add3A_12 : i32
    "tpu.region"() ({
      %run_scoped3A = tpu.sem_alloc : memref<!tpu.dma_semaphore, #tpu.memory_space<semaphore_mem>>
      %dma_start3A_73 = tpu.memref_slice %arg3[%add3A_13] : memref<3276800xi32, #tpu.memory_space<hbm>> -> memref<400xi32, #tpu.memory_space<hbm>>
      %dma_start3A_74 = tpu.memref_slice %arg3[%add3A_13] : memref<3276800xi32, #tpu.memory_space<hbm>> -> memref<400xi32, #tpu.memory_space<hbm>>
      tpu.enqueue_dma source(%dma_start3A_74 : memref<400xi32, #tpu.memory_space<hbm>>) target(%arg7 : memref<400xi32, #tpu.memory_space<vmem>>) target_semaphore(%run_scoped3A : memref<!tpu.dma_semaphore, #tpu.memory_space<semaphore_mem>>)
      %dma_wait3A_75 = tpu.memref_slice %arg3[%add3A_13] : memref<3276800xi32, #tpu.memory_space<hbm>> -> memref<400xi32, #tpu.memory_space<hbm>>
      %dma_wait3A_76 = tpu.memref_slice %arg3[%add3A_13] : memref<3276800xi32, #tpu.memory_space<hbm>> -> memref<400xi32, #tpu.memory_space<hbm>>
      tpu.wait_dma2 semaphore(%run_scoped3A : memref<!tpu.dma_semaphore, #tpu.memory_space<semaphore_mem>>) src(%dma_wait3A_76 : memref<400xi32, #tpu.memory_space<hbm>>) dst(%arg7 : memref<400xi32, #tpu.memory_space<vmem>>)
      tpu.yield
    }) : () -> ()
    %dma_start3A_14 = arith.constant 0 : i32
    %dma_start3A_15 = arith.constant 0 : i32
    %dma_start3A_16 = tpu.memref_slice %arg2[%dma_start3A_14, %dma_start3A_15] : memref<1000000x32xf32, #tpu.memory_space<hbm>> -> memref<1000000x32xf32, #tpu.memory_space<hbm>>
    tpu.enqueue_indirect_dma source(%dma_start3A_16 : memref<1000000x32xf32, #tpu.memory_space<hbm>>) target(%arg15 : memref<400x32xf32, #tpu.memory_space<vmem>>) offsets(%arg7 : memref<400xi32, #tpu.memory_space<vmem>>) semaphore(%arg23 : memref<!tpu.dma_semaphore, #tpu.memory_space<semaphore_mem>>)
    %add3A_17 = arith.constant 1200 : i32
    %add3A_18 = arith.addi %mul3A_2, %add3A_17 : i32
    "tpu.region"() ({
      %run_scoped3A = tpu.sem_alloc : memref<!tpu.dma_semaphore, #tpu.memory_space<semaphore_mem>>
      %dma_start3A_73 = tpu.memref_slice %arg3[%add3A_18] : memref<3276800xi32, #tpu.memory_space<hbm>> -> memref<400xi32, #tpu.memory_space<hbm>>
      %dma_start3A_74 = tpu.memref_slice %arg3[%add3A_18] : memref<3276800xi32, #tpu.memory_space<hbm>> -> memref<400xi32, #tpu.memory_space<hbm>>
      tpu.enqueue_dma source(%dma_start3A_74 : memref<400xi32, #tpu.memory_space<hbm>>) target(%arg8 : memref<400xi32, #tpu.memory_space<vmem>>) target_semaphore(%run_scoped3A : memref<!tpu.dma_semaphore, #tpu.memory_space<semaphore_mem>>)
      %dma_wait3A_75 = tpu.memref_slice %arg3[%add3A_18] : memref<3276800xi32, #tpu.memory_space<hbm>> -> memref<400xi32, #tpu.memory_space<hbm>>
      %dma_wait3A_76 = tpu.memref_slice %arg3[%add3A_18] : memref<3276800xi32, #tpu.memory_space<hbm>> -> memref<400xi32, #tpu.memory_space<hbm>>
      tpu.wait_dma2 semaphore(%run_scoped3A : memref<!tpu.dma_semaphore, #tpu.memory_space<semaphore_mem>>) src(%dma_wait3A_76 : memref<400xi32, #tpu.memory_space<hbm>>) dst(%arg8 : memref<400xi32, #tpu.memory_space<vmem>>)
      tpu.yield
    }) : () -> ()
    %dma_start3A_19 = arith.constant 0 : i32
    %dma_start3A_20 = arith.constant 0 : i32
    %dma_start3A_21 = tpu.memref_slice %arg2[%dma_start3A_19, %dma_start3A_20] : memref<1000000x32xf32, #tpu.memory_space<hbm>> -> memref<1000000x32xf32, #tpu.memory_space<hbm>>
    tpu.enqueue_indirect_dma source(%dma_start3A_21 : memref<1000000x32xf32, #tpu.memory_space<hbm>>) target(%arg16 : memref<400x32xf32, #tpu.memory_space<vmem>>) offsets(%arg8 : memref<400xi32, #tpu.memory_space<vmem>>) semaphore(%arg24 : memref<!tpu.dma_semaphore, #tpu.memory_space<semaphore_mem>>)
    %add3A_22 = arith.constant 1600 : i32
    %add3A_23 = arith.addi %mul3A_2, %add3A_22 : i32
    "tpu.region"() ({
      %run_scoped3A = tpu.sem_alloc : memref<!tpu.dma_semaphore, #tpu.memory_space<semaphore_mem>>
      %dma_start3A_73 = tpu.memref_slice %arg3[%add3A_23] : memref<3276800xi32, #tpu.memory_space<hbm>> -> memref<400xi32, #tpu.memory_space<hbm>>
      %dma_start3A_74 = tpu.memref_slice %arg3[%add3A_23] : memref<3276800xi32, #tpu.memory_space<hbm>> -> memref<400xi32, #tpu.memory_space<hbm>>
      tpu.enqueue_dma source(%dma_start3A_74 : memref<400xi32, #tpu.memory_space<hbm>>) target(%arg9 : memref<400xi32, #tpu.memory_space<vmem>>) target_semaphore(%run_scoped3A : memref<!tpu.dma_semaphore, #tpu.memory_space<semaphore_mem>>)
      %dma_wait3A_75 = tpu.memref_slice %arg3[%add3A_23] : memref<3276800xi32, #tpu.memory_space<hbm>> -> memref<400xi32, #tpu.memory_space<hbm>>
      %dma_wait3A_76 = tpu.memref_slice %arg3[%add3A_23] : memref<3276800xi32, #tpu.memory_space<hbm>> -> memref<400xi32, #tpu.memory_space<hbm>>
      tpu.wait_dma2 semaphore(%run_scoped3A : memref<!tpu.dma_semaphore, #tpu.memory_space<semaphore_mem>>) src(%dma_wait3A_76 : memref<400xi32, #tpu.memory_space<hbm>>) dst(%arg9 : memref<400xi32, #tpu.memory_space<vmem>>)
      tpu.yield
    }) : () -> ()
    %dma_start3A_24 = arith.constant 0 : i32
    %dma_start3A_25 = arith.constant 0 : i32
    %dma_start3A_26 = tpu.memref_slice %arg2[%dma_start3A_24, %dma_start3A_25] : memref<1000000x32xf32, #tpu.memory_space<hbm>> -> memref<1000000x32xf32, #tpu.memory_space<hbm>>
    tpu.enqueue_indirect_dma source(%dma_start3A_26 : memref<1000000x32xf32, #tpu.memory_space<hbm>>) target(%arg17 : memref<400x32xf32, #tpu.memory_space<vmem>>) offsets(%arg9 : memref<400xi32, #tpu.memory_space<vmem>>) semaphore(%arg25 : memref<!tpu.dma_semaphore, #tpu.memory_space<semaphore_mem>>)
    %add3A_27 = arith.constant 2000 : i32
    %add3A_28 = arith.addi %mul3A_2, %add3A_27 : i32
    "tpu.region"() ({
      %run_scoped3A = tpu.sem_alloc : memref<!tpu.dma_semaphore, #tpu.memory_space<semaphore_mem>>
      %dma_start3A_73 = tpu.memref_slice %arg3[%add3A_28] : memref<3276800xi32, #tpu.memory_space<hbm>> -> memref<400xi32, #tpu.memory_space<hbm>>
      %dma_start3A_74 = tpu.memref_slice %arg3[%add3A_28] : memref<3276800xi32, #tpu.memory_space<hbm>> -> memref<400xi32, #tpu.memory_space<hbm>>
      tpu.enqueue_dma source(%dma_start3A_74 : memref<400xi32, #tpu.memory_space<hbm>>) target(%arg10 : memref<400xi32, #tpu.memory_space<vmem>>) target_semaphore(%run_scoped3A : memref<!tpu.dma_semaphore, #tpu.memory_space<semaphore_mem>>)
      %dma_wait3A_75 = tpu.memref_slice %arg3[%add3A_28] : memref<3276800xi32, #tpu.memory_space<hbm>> -> memref<400xi32, #tpu.memory_space<hbm>>
      %dma_wait3A_76 = tpu.memref_slice %arg3[%add3A_28] : memref<3276800xi32, #tpu.memory_space<hbm>> -> memref<400xi32, #tpu.memory_space<hbm>>
      tpu.wait_dma2 semaphore(%run_scoped3A : memref<!tpu.dma_semaphore, #tpu.memory_space<semaphore_mem>>) src(%dma_wait3A_76 : memref<400xi32, #tpu.memory_space<hbm>>) dst(%arg10 : memref<400xi32, #tpu.memory_space<vmem>>)
      tpu.yield
    }) : () -> ()
    %dma_start3A_29 = arith.constant 0 : i32
    %dma_start3A_30 = arith.constant 0 : i32
    %dma_start3A_31 = tpu.memref_slice %arg2[%dma_start3A_29, %dma_start3A_30] : memref<1000000x32xf32, #tpu.memory_space<hbm>> -> memref<1000000x32xf32, #tpu.memory_space<hbm>>
    tpu.enqueue_indirect_dma source(%dma_start3A_31 : memref<1000000x32xf32, #tpu.memory_space<hbm>>) target(%arg18 : memref<400x32xf32, #tpu.memory_space<vmem>>) offsets(%arg10 : memref<400xi32, #tpu.memory_space<vmem>>) semaphore(%arg26 : memref<!tpu.dma_semaphore, #tpu.memory_space<semaphore_mem>>)
    %add3A_32 = arith.constant 2400 : i32
    %add3A_33 = arith.addi %mul3A_2, %add3A_32 : i32
    "tpu.region"() ({
      %run_scoped3A = tpu.sem_alloc : memref<!tpu.dma_semaphore, #tpu.memory_space<semaphore_mem>>
      %dma_start3A_73 = tpu.memref_slice %arg3[%add3A_33] : memref<3276800xi32, #tpu.memory_space<hbm>> -> memref<400xi32, #tpu.memory_space<hbm>>
      %dma_start3A_74 = tpu.memref_slice %arg3[%add3A_33] : memref<3276800xi32, #tpu.memory_space<hbm>> -> memref<400xi32, #tpu.memory_space<hbm>>
      tpu.enqueue_dma source(%dma_start3A_74 : memref<400xi32, #tpu.memory_space<hbm>>) target(%arg11 : memref<400xi32, #tpu.memory_space<vmem>>) target_semaphore(%run_scoped3A : memref<!tpu.dma_semaphore, #tpu.memory_space<semaphore_mem>>)
      %dma_wait3A_75 = tpu.memref_slice %arg3[%add3A_33] : memref<3276800xi32, #tpu.memory_space<hbm>> -> memref<400xi32, #tpu.memory_space<hbm>>
      %dma_wait3A_76 = tpu.memref_slice %arg3[%add3A_33] : memref<3276800xi32, #tpu.memory_space<hbm>> -> memref<400xi32, #tpu.memory_space<hbm>>
      tpu.wait_dma2 semaphore(%run_scoped3A : memref<!tpu.dma_semaphore, #tpu.memory_space<semaphore_mem>>) src(%dma_wait3A_76 : memref<400xi32, #tpu.memory_space<hbm>>) dst(%arg11 : memref<400xi32, #tpu.memory_space<vmem>>)
      tpu.yield
    }) : () -> ()
    %dma_start3A_34 = arith.constant 0 : i32
    %dma_start3A_35 = arith.constant 0 : i32
    %dma_start3A_36 = tpu.memref_slice %arg2[%dma_start3A_34, %dma_start3A_35] : memref<1000000x32xf32, #tpu.memory_space<hbm>> -> memref<1000000x32xf32, #tpu.memory_space<hbm>>
    tpu.enqueue_indirect_dma source(%dma_start3A_36 : memref<1000000x32xf32, #tpu.memory_space<hbm>>) target(%arg19 : memref<400x32xf32, #tpu.memory_space<vmem>>) offsets(%arg11 : memref<400xi32, #tpu.memory_space<vmem>>) semaphore(%arg27 : memref<!tpu.dma_semaphore, #tpu.memory_space<semaphore_mem>>)
    %scan3A = arith.constant 0 : i32
    %scan3A_37 = arith.constant 0 : i32
    %scan3A_38 = arith.constant 32 : i32
    %scan3A_39 = arith.addi %scan3A_37, %scan3A_38 : i32
    %scan3A_40 = arith.constant 1 : i32
    scf.for %scan3A_73 = %scan3A_37 to %scan3A_39 step %scan3A_40  : i32 {
      %mul3A_74 = arith.constant 8 : i32
      %mul3A_75 = arith.muli %scan3A_73, %mul3A_74 : i32
      %add3A_76 = arith.constant 0 : i32
      %add3A_77 = arith.addi %mul3A_75, %add3A_76 : i32
      %dma_wait3A_78 = arith.constant 0 : i32
      %dma_wait3A_79 = arith.constant 0 : i32
      %dma_wait3A_80 = tpu.memref_slice %arg2[%dma_wait3A_78, %dma_wait3A_79] : memref<1000000x32xf32, #tpu.memory_space<hbm>> -> memref<1000000x32xf32, #tpu.memory_space<hbm>>
      tpu.wait_indirect_dma semaphore(%arg21 : memref<!tpu.dma_semaphore, #tpu.memory_space<semaphore_mem>>) src(%dma_wait3A_80 : memref<1000000x32xf32, #tpu.memory_space<hbm>>) dst(%arg13 : memref<400x32xf32, #tpu.memory_space<vmem>>)
      %mul3A_81 = arith.constant 400 : i32
      %mul3A_82 = arith.muli %add3A_77, %mul3A_81 : i32
      %add3A_83 = arith.addi %mul3A_2, %mul3A_82 : i32
      %dma_start3A_84 = arith.constant 0 : i32
      %dma_start3A_85 = tpu.memref_slice %arg4[%add3A_83, %dma_start3A_84] : memref<3276800x32xf32, #tpu.memory_space<hbm>> -> memref<400x32xf32, #tpu.memory_space<hbm>>
      %dma_start3A_86 = arith.constant 0 : i32
      %dma_start3A_87 = tpu.memref_slice %arg4[%add3A_83, %dma_start3A_86] : memref<3276800x32xf32, #tpu.memory_space<hbm>> -> memref<400x32xf32, #tpu.memory_space<hbm>>
      tpu.enqueue_dma source(%arg13 : memref<400x32xf32, #tpu.memory_space<vmem>>) target(%dma_start3A_87 : memref<400x32xf32, #tpu.memory_space<hbm>>) target_semaphore(%arg29 : memref<!tpu.dma_semaphore, #tpu.memory_space<semaphore_mem>>)
      %add3A_88 = arith.constant 8 : i32
      %add3A_89 = arith.addi %add3A_77, %add3A_88 : i32
      %sub3A = arith.constant 1 : i32
      %sub3A_90 = arith.subi %add3A_89, %sub3A : i32
      %lt3A = arith.constant 256 : i32
      %lt3A_91 = arith.cmpi slt, %sub3A_90, %lt3A : i32
      %convert_element_type3A = arith.extui %lt3A_91 : i1 to i32
      %cond3A = arith.constant 0 : i32
      %cond3A_92 = arith.cmpi ne, %convert_element_type3A, %cond3A : i32
      scf.if %cond3A_92 {
        %ge3A = arith.constant 8 : i32
        %ge3A_254 = arith.cmpi sge, %sub3A_90, %ge3A : i32
        %convert_element_type3A_255 = arith.extui %ge3A_254 : i1 to i32
        %cond3A_256 = arith.constant 0 : i32
        %cond3A_257 = arith.cmpi ne, %convert_element_type3A_255, %cond3A_256 : i32
        scf.if %cond3A_257 {
          %dma_wait3A_264 = arith.constant 0 : i32
          %dma_wait3A_265 = tpu.memref_slice %arg4[%mul3A_2, %dma_wait3A_264] : memref<3276800x32xf32, #tpu.memory_space<hbm>> -> memref<400x32xf32, #tpu.memory_space<hbm>>
          %dma_wait3A_266 = arith.constant 0 : i32
          %dma_wait3A_267 = tpu.memref_slice %arg4[%mul3A_2, %dma_wait3A_266] : memref<3276800x32xf32, #tpu.memory_space<hbm>> -> memref<400x32xf32, #tpu.memory_space<hbm>>
          tpu.wait_dma2 semaphore(%arg36 : memref<!tpu.dma_semaphore, #tpu.memory_space<semaphore_mem>>) src(%arg20 : memref<400x32xf32, #tpu.memory_space<vmem>>) dst(%dma_wait3A_267 : memref<400x32xf32, #tpu.memory_space<hbm>>)
        } else {
        }
        %mul3A_258 = arith.constant 400 : i32
        %mul3A_259 = arith.muli %sub3A_90, %mul3A_258 : i32
        %add3A_260 = arith.addi %mul3A_2, %mul3A_259 : i32
        "tpu.region"() ({
          %run_scoped3A = tpu.sem_alloc : memref<!tpu.dma_semaphore, #tpu.memory_space<semaphore_mem>>
          %dma_start3A_264 = tpu.memref_slice %arg3[%add3A_260] : memref<3276800xi32, #tpu.memory_space<hbm>> -> memref<400xi32, #tpu.memory_space<hbm>>
          %dma_start3A_265 = tpu.memref_slice %arg3[%add3A_260] : memref<3276800xi32, #tpu.memory_space<hbm>> -> memref<400xi32, #tpu.memory_space<hbm>>
          tpu.enqueue_dma source(%dma_start3A_265 : memref<400xi32, #tpu.memory_space<hbm>>) target(%arg12 : memref<400xi32, #tpu.memory_space<vmem>>) target_semaphore(%run_scoped3A : memref<!tpu.dma_semaphore, #tpu.memory_space<semaphore_mem>>)
          %dma_wait3A_266 = tpu.memref_slice %arg3[%add3A_260] : memref<3276800xi32, #tpu.memory_space<hbm>> -> memref<400xi32, #tpu.memory_space<hbm>>
          %dma_wait3A_267 = tpu.memref_slice %arg3[%add3A_260] : memref<3276800xi32, #tpu.memory_space<hbm>> -> memref<400xi32, #tpu.memory_space<hbm>>
          tpu.wait_dma2 semaphore(%run_scoped3A : memref<!tpu.dma_semaphore, #tpu.memory_space<semaphore_mem>>) src(%dma_wait3A_267 : memref<400xi32, #tpu.memory_space<hbm>>) dst(%arg12 : memref<400xi32, #tpu.memory_space<vmem>>)
          tpu.yield
        }) : () -> ()
        %dma_start3A_261 = arith.constant 0 : i32
        %dma_start3A_262 = arith.constant 0 : i32
        %dma_start3A_263 = tpu.memref_slice %arg2[%dma_start3A_261, %dma_start3A_262] : memref<1000000x32xf32, #tpu.memory_space<hbm>> -> memref<1000000x32xf32, #tpu.memory_space<hbm>>
        tpu.enqueue_indirect_dma source(%dma_start3A_263 : memref<1000000x32xf32, #tpu.memory_space<hbm>>) target(%arg20 : memref<400x32xf32, #tpu.memory_space<vmem>>) offsets(%arg12 : memref<400xi32, #tpu.memory_space<vmem>>) semaphore(%arg28 : memref<!tpu.dma_semaphore, #tpu.memory_space<semaphore_mem>>)
      } else {
      }
      %mul3A_93 = arith.constant 8 : i32
      %mul3A_94 = arith.muli %scan3A_73, %mul3A_93 : i32
      %add3A_95 = arith.constant 1 : i32
      %add3A_96 = arith.addi %mul3A_94, %add3A_95 : i32
      %dma_wait3A_97 = arith.constant 0 : i32
      %dma_wait3A_98 = arith.constant 0 : i32
      %dma_wait3A_99 = tpu.memref_slice %arg2[%dma_wait3A_97, %dma_wait3A_98] : memref<1000000x32xf32, #tpu.memory_space<hbm>> -> memref<1000000x32xf32, #tpu.memory_space<hbm>>
      tpu.wait_indirect_dma semaphore(%arg22 : memref<!tpu.dma_semaphore, #tpu.memory_space<semaphore_mem>>) src(%dma_wait3A_99 : memref<1000000x32xf32, #tpu.memory_space<hbm>>) dst(%arg14 : memref<400x32xf32, #tpu.memory_space<vmem>>)
      %mul3A_100 = arith.constant 400 : i32
      %mul3A_101 = arith.muli %add3A_96, %mul3A_100 : i32
      %add3A_102 = arith.addi %mul3A_2, %mul3A_101 : i32
      %dma_start3A_103 = arith.constant 0 : i32
      %dma_start3A_104 = tpu.memref_slice %arg4[%add3A_102, %dma_start3A_103] : memref<3276800x32xf32, #tpu.memory_space<hbm>> -> memref<400x32xf32, #tpu.memory_space<hbm>>
      %dma_start3A_105 = arith.constant 0 : i32
      %dma_start3A_106 = tpu.memref_slice %arg4[%add3A_102, %dma_start3A_105] : memref<3276800x32xf32, #tpu.memory_space<hbm>> -> memref<400x32xf32, #tpu.memory_space<hbm>>
      tpu.enqueue_dma source(%arg14 : memref<400x32xf32, #tpu.memory_space<vmem>>) target(%dma_start3A_106 : memref<400x32xf32, #tpu.memory_space<hbm>>) target_semaphore(%arg30 : memref<!tpu.dma_semaphore, #tpu.memory_space<semaphore_mem>>)
      %add3A_107 = arith.constant 8 : i32
      %add3A_108 = arith.addi %add3A_96, %add3A_107 : i32
      %sub3A_109 = arith.constant 1 : i32
      %sub3A_110 = arith.subi %add3A_108, %sub3A_109 : i32
      %lt3A_111 = arith.constant 256 : i32
      %lt3A_112 = arith.cmpi slt, %sub3A_110, %lt3A_111 : i32
      %convert_element_type3A_113 = arith.extui %lt3A_112 : i1 to i32
      %cond3A_114 = arith.constant 0 : i32
      %cond3A_115 = arith.cmpi ne, %convert_element_type3A_113, %cond3A_114 : i32
      scf.if %cond3A_115 {
        %ge3A = arith.constant 8 : i32
        %ge3A_254 = arith.cmpi sge, %sub3A_110, %ge3A : i32
        %convert_element_type3A_255 = arith.extui %ge3A_254 : i1 to i32
        %cond3A_256 = arith.constant 0 : i32
        %cond3A_257 = arith.cmpi ne, %convert_element_type3A_255, %cond3A_256 : i32
        scf.if %cond3A_257 {
          %dma_wait3A_264 = arith.constant 0 : i32
          %dma_wait3A_265 = tpu.memref_slice %arg4[%mul3A_2, %dma_wait3A_264] : memref<3276800x32xf32, #tpu.memory_space<hbm>> -> memref<400x32xf32, #tpu.memory_space<hbm>>
          %dma_wait3A_266 = arith.constant 0 : i32
          %dma_wait3A_267 = tpu.memref_slice %arg4[%mul3A_2, %dma_wait3A_266] : memref<3276800x32xf32, #tpu.memory_space<hbm>> -> memref<400x32xf32, #tpu.memory_space<hbm>>
          tpu.wait_dma2 semaphore(%arg29 : memref<!tpu.dma_semaphore, #tpu.memory_space<semaphore_mem>>) src(%arg13 : memref<400x32xf32, #tpu.memory_space<vmem>>) dst(%dma_wait3A_267 : memref<400x32xf32, #tpu.memory_space<hbm>>)
        } else {
        }
        %mul3A_258 = arith.constant 400 : i32
        %mul3A_259 = arith.muli %sub3A_110, %mul3A_258 : i32
        %add3A_260 = arith.addi %mul3A_2, %mul3A_259 : i32
        "tpu.region"() ({
          %run_scoped3A = tpu.sem_alloc : memref<!tpu.dma_semaphore, #tpu.memory_space<semaphore_mem>>
          %dma_start3A_264 = tpu.memref_slice %arg3[%add3A_260] : memref<3276800xi32, #tpu.memory_space<hbm>> -> memref<400xi32, #tpu.memory_space<hbm>>
          %dma_start3A_265 = tpu.memref_slice %arg3[%add3A_260] : memref<3276800xi32, #tpu.memory_space<hbm>> -> memref<400xi32, #tpu.memory_space<hbm>>
          tpu.enqueue_dma source(%dma_start3A_265 : memref<400xi32, #tpu.memory_space<hbm>>) target(%arg5 : memref<400xi32, #tpu.memory_space<vmem>>) target_semaphore(%run_scoped3A : memref<!tpu.dma_semaphore, #tpu.memory_space<semaphore_mem>>)
          %dma_wait3A_266 = tpu.memref_slice %arg3[%add3A_260] : memref<3276800xi32, #tpu.memory_space<hbm>> -> memref<400xi32, #tpu.memory_space<hbm>>
          %dma_wait3A_267 = tpu.memref_slice %arg3[%add3A_260] : memref<3276800xi32, #tpu.memory_space<hbm>> -> memref<400xi32, #tpu.memory_space<hbm>>
          tpu.wait_dma2 semaphore(%run_scoped3A : memref<!tpu.dma_semaphore, #tpu.memory_space<semaphore_mem>>) src(%dma_wait3A_267 : memref<400xi32, #tpu.memory_space<hbm>>) dst(%arg5 : memref<400xi32, #tpu.memory_space<vmem>>)
          tpu.yield
        }) : () -> ()
        %dma_start3A_261 = arith.constant 0 : i32
        %dma_start3A_262 = arith.constant 0 : i32
        %dma_start3A_263 = tpu.memref_slice %arg2[%dma_start3A_261, %dma_start3A_262] : memref<1000000x32xf32, #tpu.memory_space<hbm>> -> memref<1000000x32xf32, #tpu.memory_space<hbm>>
        tpu.enqueue_indirect_dma source(%dma_start3A_263 : memref<1000000x32xf32, #tpu.memory_space<hbm>>) target(%arg13 : memref<400x32xf32, #tpu.memory_space<vmem>>) offsets(%arg5 : memref<400xi32, #tpu.memory_space<vmem>>) semaphore(%arg21 : memref<!tpu.dma_semaphore, #tpu.memory_space<semaphore_mem>>)
      } else {
      }
      %mul3A_116 = arith.constant 8 : i32
      %mul3A_117 = arith.muli %scan3A_73, %mul3A_116 : i32
      %add3A_118 = arith.constant 2 : i32
      %add3A_119 = arith.addi %mul3A_117, %add3A_118 : i32
      %dma_wait3A_120 = arith.constant 0 : i32
      %dma_wait3A_121 = arith.constant 0 : i32
      %dma_wait3A_122 = tpu.memref_slice %arg2[%dma_wait3A_120, %dma_wait3A_121] : memref<1000000x32xf32, #tpu.memory_space<hbm>> -> memref<1000000x32xf32, #tpu.memory_space<hbm>>
      tpu.wait_indirect_dma semaphore(%arg23 : memref<!tpu.dma_semaphore, #tpu.memory_space<semaphore_mem>>) src(%dma_wait3A_122 : memref<1000000x32xf32, #tpu.memory_space<hbm>>) dst(%arg15 : memref<400x32xf32, #tpu.memory_space<vmem>>)
      %mul3A_123 = arith.constant 400 : i32
      %mul3A_124 = arith.muli %add3A_119, %mul3A_123 : i32
      %add3A_125 = arith.addi %mul3A_2, %mul3A_124 : i32
      %dma_start3A_126 = arith.constant 0 : i32
      %dma_start3A_127 = tpu.memref_slice %arg4[%add3A_125, %dma_start3A_126] : memref<3276800x32xf32, #tpu.memory_space<hbm>> -> memref<400x32xf32, #tpu.memory_space<hbm>>
      %dma_start3A_128 = arith.constant 0 : i32
      %dma_start3A_129 = tpu.memref_slice %arg4[%add3A_125, %dma_start3A_128] : memref<3276800x32xf32, #tpu.memory_space<hbm>> -> memref<400x32xf32, #tpu.memory_space<hbm>>
      tpu.enqueue_dma source(%arg15 : memref<400x32xf32, #tpu.memory_space<vmem>>) target(%dma_start3A_129 : memref<400x32xf32, #tpu.memory_space<hbm>>) target_semaphore(%arg31 : memref<!tpu.dma_semaphore, #tpu.memory_space<semaphore_mem>>)
      %add3A_130 = arith.constant 8 : i32
      %add3A_131 = arith.addi %add3A_119, %add3A_130 : i32
      %sub3A_132 = arith.constant 1 : i32
      %sub3A_133 = arith.subi %add3A_131, %sub3A_132 : i32
      %lt3A_134 = arith.constant 256 : i32
      %lt3A_135 = arith.cmpi slt, %sub3A_133, %lt3A_134 : i32
      %convert_element_type3A_136 = arith.extui %lt3A_135 : i1 to i32
      %cond3A_137 = arith.constant 0 : i32
      %cond3A_138 = arith.cmpi ne, %convert_element_type3A_136, %cond3A_137 : i32
      scf.if %cond3A_138 {
        %ge3A = arith.constant 8 : i32
        %ge3A_254 = arith.cmpi sge, %sub3A_133, %ge3A : i32
        %convert_element_type3A_255 = arith.extui %ge3A_254 : i1 to i32
        %cond3A_256 = arith.constant 0 : i32
        %cond3A_257 = arith.cmpi ne, %convert_element_type3A_255, %cond3A_256 : i32
        scf.if %cond3A_257 {
          %dma_wait3A_264 = arith.constant 0 : i32
          %dma_wait3A_265 = tpu.memref_slice %arg4[%mul3A_2, %dma_wait3A_264] : memref<3276800x32xf32, #tpu.memory_space<hbm>> -> memref<400x32xf32, #tpu.memory_space<hbm>>
          %dma_wait3A_266 = arith.constant 0 : i32
          %dma_wait3A_267 = tpu.memref_slice %arg4[%mul3A_2, %dma_wait3A_266] : memref<3276800x32xf32, #tpu.memory_space<hbm>> -> memref<400x32xf32, #tpu.memory_space<hbm>>
          tpu.wait_dma2 semaphore(%arg30 : memref<!tpu.dma_semaphore, #tpu.memory_space<semaphore_mem>>) src(%arg14 : memref<400x32xf32, #tpu.memory_space<vmem>>) dst(%dma_wait3A_267 : memref<400x32xf32, #tpu.memory_space<hbm>>)
        } else {
        }
        %mul3A_258 = arith.constant 400 : i32
        %mul3A_259 = arith.muli %sub3A_133, %mul3A_258 : i32
        %add3A_260 = arith.addi %mul3A_2, %mul3A_259 : i32
        "tpu.region"() ({
          %run_scoped3A = tpu.sem_alloc : memref<!tpu.dma_semaphore, #tpu.memory_space<semaphore_mem>>
          %dma_start3A_264 = tpu.memref_slice %arg3[%add3A_260] : memref<3276800xi32, #tpu.memory_space<hbm>> -> memref<400xi32, #tpu.memory_space<hbm>>
          %dma_start3A_265 = tpu.memref_slice %arg3[%add3A_260] : memref<3276800xi32, #tpu.memory_space<hbm>> -> memref<400xi32, #tpu.memory_space<hbm>>
          tpu.enqueue_dma source(%dma_start3A_265 : memref<400xi32, #tpu.memory_space<hbm>>) target(%arg6 : memref<400xi32, #tpu.memory_space<vmem>>) target_semaphore(%run_scoped3A : memref<!tpu.dma_semaphore, #tpu.memory_space<semaphore_mem>>)
          %dma_wait3A_266 = tpu.memref_slice %arg3[%add3A_260] : memref<3276800xi32, #tpu.memory_space<hbm>> -> memref<400xi32, #tpu.memory_space<hbm>>
          %dma_wait3A_267 = tpu.memref_slice %arg3[%add3A_260] : memref<3276800xi32, #tpu.memory_space<hbm>> -> memref<400xi32, #tpu.memory_space<hbm>>
          tpu.wait_dma2 semaphore(%run_scoped3A : memref<!tpu.dma_semaphore, #tpu.memory_space<semaphore_mem>>) src(%dma_wait3A_267 : memref<400xi32, #tpu.memory_space<hbm>>) dst(%arg6 : memref<400xi32, #tpu.memory_space<vmem>>)
          tpu.yield
        }) : () -> ()
        %dma_start3A_261 = arith.constant 0 : i32
        %dma_start3A_262 = arith.constant 0 : i32
        %dma_start3A_263 = tpu.memref_slice %arg2[%dma_start3A_261, %dma_start3A_262] : memref<1000000x32xf32, #tpu.memory_space<hbm>> -> memref<1000000x32xf32, #tpu.memory_space<hbm>>
        tpu.enqueue_indirect_dma source(%dma_start3A_263 : memref<1000000x32xf32, #tpu.memory_space<hbm>>) target(%arg14 : memref<400x32xf32, #tpu.memory_space<vmem>>) offsets(%arg6 : memref<400xi32, #tpu.memory_space<vmem>>) semaphore(%arg22 : memref<!tpu.dma_semaphore, #tpu.memory_space<semaphore_mem>>)
      } else {
      }
      %mul3A_139 = arith.constant 8 : i32
      %mul3A_140 = arith.muli %scan3A_73, %mul3A_139 : i32
      %add3A_141 = arith.constant 3 : i32
      %add3A_142 = arith.addi %mul3A_140, %add3A_141 : i32
      %dma_wait3A_143 = arith.constant 0 : i32
      %dma_wait3A_144 = arith.constant 0 : i32
      %dma_wait3A_145 = tpu.memref_slice %arg2[%dma_wait3A_143, %dma_wait3A_144] : memref<1000000x32xf32, #tpu.memory_space<hbm>> -> memref<1000000x32xf32, #tpu.memory_space<hbm>>
      tpu.wait_indirect_dma semaphore(%arg24 : memref<!tpu.dma_semaphore, #tpu.memory_space<semaphore_mem>>) src(%dma_wait3A_145 : memref<1000000x32xf32, #tpu.memory_space<hbm>>) dst(%arg16 : memref<400x32xf32, #tpu.memory_space<vmem>>)
      %mul3A_146 = arith.constant 400 : i32
      %mul3A_147 = arith.muli %add3A_142, %mul3A_146 : i32
      %add3A_148 = arith.addi %mul3A_2, %mul3A_147 : i32
      %dma_start3A_149 = arith.constant 0 : i32
      %dma_start3A_150 = tpu.memref_slice %arg4[%add3A_148, %dma_start3A_149] : memref<3276800x32xf32, #tpu.memory_space<hbm>> -> memref<400x32xf32, #tpu.memory_space<hbm>>
      %dma_start3A_151 = arith.constant 0 : i32
      %dma_start3A_152 = tpu.memref_slice %arg4[%add3A_148, %dma_start3A_151] : memref<3276800x32xf32, #tpu.memory_space<hbm>> -> memref<400x32xf32, #tpu.memory_space<hbm>>
      tpu.enqueue_dma source(%arg16 : memref<400x32xf32, #tpu.memory_space<vmem>>) target(%dma_start3A_152 : memref<400x32xf32, #tpu.memory_space<hbm>>) target_semaphore(%arg32 : memref<!tpu.dma_semaphore, #tpu.memory_space<semaphore_mem>>)
      %add3A_153 = arith.constant 8 : i32
      %add3A_154 = arith.addi %add3A_142, %add3A_153 : i32
      %sub3A_155 = arith.constant 1 : i32
      %sub3A_156 = arith.subi %add3A_154, %sub3A_155 : i32
      %lt3A_157 = arith.constant 256 : i32
      %lt3A_158 = arith.cmpi slt, %sub3A_156, %lt3A_157 : i32
      %convert_element_type3A_159 = arith.extui %lt3A_158 : i1 to i32
      %cond3A_160 = arith.constant 0 : i32
      %cond3A_161 = arith.cmpi ne, %convert_element_type3A_159, %cond3A_160 : i32
      scf.if %cond3A_161 {
        %ge3A = arith.constant 8 : i32
        %ge3A_254 = arith.cmpi sge, %sub3A_156, %ge3A : i32
        %convert_element_type3A_255 = arith.extui %ge3A_254 : i1 to i32
        %cond3A_256 = arith.constant 0 : i32
        %cond3A_257 = arith.cmpi ne, %convert_element_type3A_255, %cond3A_256 : i32
        scf.if %cond3A_257 {
          %dma_wait3A_264 = arith.constant 0 : i32
          %dma_wait3A_265 = tpu.memref_slice %arg4[%mul3A_2, %dma_wait3A_264] : memref<3276800x32xf32, #tpu.memory_space<hbm>> -> memref<400x32xf32, #tpu.memory_space<hbm>>
          %dma_wait3A_266 = arith.constant 0 : i32
          %dma_wait3A_267 = tpu.memref_slice %arg4[%mul3A_2, %dma_wait3A_266] : memref<3276800x32xf32, #tpu.memory_space<hbm>> -> memref<400x32xf32, #tpu.memory_space<hbm>>
          tpu.wait_dma2 semaphore(%arg31 : memref<!tpu.dma_semaphore, #tpu.memory_space<semaphore_mem>>) src(%arg15 : memref<400x32xf32, #tpu.memory_space<vmem>>) dst(%dma_wait3A_267 : memref<400x32xf32, #tpu.memory_space<hbm>>)
        } else {
        }
        %mul3A_258 = arith.constant 400 : i32
        %mul3A_259 = arith.muli %sub3A_156, %mul3A_258 : i32
        %add3A_260 = arith.addi %mul3A_2, %mul3A_259 : i32
        "tpu.region"() ({
          %run_scoped3A = tpu.sem_alloc : memref<!tpu.dma_semaphore, #tpu.memory_space<semaphore_mem>>
          %dma_start3A_264 = tpu.memref_slice %arg3[%add3A_260] : memref<3276800xi32, #tpu.memory_space<hbm>> -> memref<400xi32, #tpu.memory_space<hbm>>
          %dma_start3A_265 = tpu.memref_slice %arg3[%add3A_260] : memref<3276800xi32, #tpu.memory_space<hbm>> -> memref<400xi32, #tpu.memory_space<hbm>>
          tpu.enqueue_dma source(%dma_start3A_265 : memref<400xi32, #tpu.memory_space<hbm>>) target(%arg7 : memref<400xi32, #tpu.memory_space<vmem>>) target_semaphore(%run_scoped3A : memref<!tpu.dma_semaphore, #tpu.memory_space<semaphore_mem>>)
          %dma_wait3A_266 = tpu.memref_slice %arg3[%add3A_260] : memref<3276800xi32, #tpu.memory_space<hbm>> -> memref<400xi32, #tpu.memory_space<hbm>>
          %dma_wait3A_267 = tpu.memref_slice %arg3[%add3A_260] : memref<3276800xi32, #tpu.memory_space<hbm>> -> memref<400xi32, #tpu.memory_space<hbm>>
          tpu.wait_dma2 semaphore(%run_scoped3A : memref<!tpu.dma_semaphore, #tpu.memory_space<semaphore_mem>>) src(%dma_wait3A_267 : memref<400xi32, #tpu.memory_space<hbm>>) dst(%arg7 : memref<400xi32, #tpu.memory_space<vmem>>)
          tpu.yield
        }) : () -> ()
        %dma_start3A_261 = arith.constant 0 : i32
        %dma_start3A_262 = arith.constant 0 : i32
        %dma_start3A_263 = tpu.memref_slice %arg2[%dma_start3A_261, %dma_start3A_262] : memref<1000000x32xf32, #tpu.memory_space<hbm>> -> memref<1000000x32xf32, #tpu.memory_space<hbm>>
        tpu.enqueue_indirect_dma source(%dma_start3A_263 : memref<1000000x32xf32, #tpu.memory_space<hbm>>) target(%arg15 : memref<400x32xf32, #tpu.memory_space<vmem>>) offsets(%arg7 : memref<400xi32, #tpu.memory_space<vmem>>) semaphore(%arg23 : memref<!tpu.dma_semaphore, #tpu.memory_space<semaphore_mem>>)
      } else {
      }
      %mul3A_162 = arith.constant 8 : i32
      %mul3A_163 = arith.muli %scan3A_73, %mul3A_162 : i32
      %add3A_164 = arith.constant 4 : i32
      %add3A_165 = arith.addi %mul3A_163, %add3A_164 : i32
      %dma_wait3A_166 = arith.constant 0 : i32
      %dma_wait3A_167 = arith.constant 0 : i32
      %dma_wait3A_168 = tpu.memref_slice %arg2[%dma_wait3A_166, %dma_wait3A_167] : memref<1000000x32xf32, #tpu.memory_space<hbm>> -> memref<1000000x32xf32, #tpu.memory_space<hbm>>
      tpu.wait_indirect_dma semaphore(%arg25 : memref<!tpu.dma_semaphore, #tpu.memory_space<semaphore_mem>>) src(%dma_wait3A_168 : memref<1000000x32xf32, #tpu.memory_space<hbm>>) dst(%arg17 : memref<400x32xf32, #tpu.memory_space<vmem>>)
      %mul3A_169 = arith.constant 400 : i32
      %mul3A_170 = arith.muli %add3A_165, %mul3A_169 : i32
      %add3A_171 = arith.addi %mul3A_2, %mul3A_170 : i32
      %dma_start3A_172 = arith.constant 0 : i32
      %dma_start3A_173 = tpu.memref_slice %arg4[%add3A_171, %dma_start3A_172] : memref<3276800x32xf32, #tpu.memory_space<hbm>> -> memref<400x32xf32, #tpu.memory_space<hbm>>
      %dma_start3A_174 = arith.constant 0 : i32
      %dma_start3A_175 = tpu.memref_slice %arg4[%add3A_171, %dma_start3A_174] : memref<3276800x32xf32, #tpu.memory_space<hbm>> -> memref<400x32xf32, #tpu.memory_space<hbm>>
      tpu.enqueue_dma source(%arg17 : memref<400x32xf32, #tpu.memory_space<vmem>>) target(%dma_start3A_175 : memref<400x32xf32, #tpu.memory_space<hbm>>) target_semaphore(%arg33 : memref<!tpu.dma_semaphore, #tpu.memory_space<semaphore_mem>>)
      %add3A_176 = arith.constant 8 : i32
      %add3A_177 = arith.addi %add3A_165, %add3A_176 : i32
      %sub3A_178 = arith.constant 1 : i32
      %sub3A_179 = arith.subi %add3A_177, %sub3A_178 : i32
      %lt3A_180 = arith.constant 256 : i32
      %lt3A_181 = arith.cmpi slt, %sub3A_179, %lt3A_180 : i32
      %convert_element_type3A_182 = arith.extui %lt3A_181 : i1 to i32
      %cond3A_183 = arith.constant 0 : i32
      %cond3A_184 = arith.cmpi ne, %convert_element_type3A_182, %cond3A_183 : i32
      scf.if %cond3A_184 {
        %ge3A = arith.constant 8 : i32
        %ge3A_254 = arith.cmpi sge, %sub3A_179, %ge3A : i32
        %convert_element_type3A_255 = arith.extui %ge3A_254 : i1 to i32
        %cond3A_256 = arith.constant 0 : i32
        %cond3A_257 = arith.cmpi ne, %convert_element_type3A_255, %cond3A_256 : i32
        scf.if %cond3A_257 {
          %dma_wait3A_264 = arith.constant 0 : i32
          %dma_wait3A_265 = tpu.memref_slice %arg4[%mul3A_2, %dma_wait3A_264] : memref<3276800x32xf32, #tpu.memory_space<hbm>> -> memref<400x32xf32, #tpu.memory_space<hbm>>
          %dma_wait3A_266 = arith.constant 0 : i32
          %dma_wait3A_267 = tpu.memref_slice %arg4[%mul3A_2, %dma_wait3A_266] : memref<3276800x32xf32, #tpu.memory_space<hbm>> -> memref<400x32xf32, #tpu.memory_space<hbm>>
          tpu.wait_dma2 semaphore(%arg32 : memref<!tpu.dma_semaphore, #tpu.memory_space<semaphore_mem>>) src(%arg16 : memref<400x32xf32, #tpu.memory_space<vmem>>) dst(%dma_wait3A_267 : memref<400x32xf32, #tpu.memory_space<hbm>>)
        } else {
        }
        %mul3A_258 = arith.constant 400 : i32
        %mul3A_259 = arith.muli %sub3A_179, %mul3A_258 : i32
        %add3A_260 = arith.addi %mul3A_2, %mul3A_259 : i32
        "tpu.region"() ({
          %run_scoped3A = tpu.sem_alloc : memref<!tpu.dma_semaphore, #tpu.memory_space<semaphore_mem>>
          %dma_start3A_264 = tpu.memref_slice %arg3[%add3A_260] : memref<3276800xi32, #tpu.memory_space<hbm>> -> memref<400xi32, #tpu.memory_space<hbm>>
          %dma_start3A_265 = tpu.memref_slice %arg3[%add3A_260] : memref<3276800xi32, #tpu.memory_space<hbm>> -> memref<400xi32, #tpu.memory_space<hbm>>
          tpu.enqueue_dma source(%dma_start3A_265 : memref<400xi32, #tpu.memory_space<hbm>>) target(%arg8 : memref<400xi32, #tpu.memory_space<vmem>>) target_semaphore(%run_scoped3A : memref<!tpu.dma_semaphore, #tpu.memory_space<semaphore_mem>>)
          %dma_wait3A_266 = tpu.memref_slice %arg3[%add3A_260] : memref<3276800xi32, #tpu.memory_space<hbm>> -> memref<400xi32, #tpu.memory_space<hbm>>
          %dma_wait3A_267 = tpu.memref_slice %arg3[%add3A_260] : memref<3276800xi32, #tpu.memory_space<hbm>> -> memref<400xi32, #tpu.memory_space<hbm>>
          tpu.wait_dma2 semaphore(%run_scoped3A : memref<!tpu.dma_semaphore, #tpu.memory_space<semaphore_mem>>) src(%dma_wait3A_267 : memref<400xi32, #tpu.memory_space<hbm>>) dst(%arg8 : memref<400xi32, #tpu.memory_space<vmem>>)
          tpu.yield
        }) : () -> ()
        %dma_start3A_261 = arith.constant 0 : i32
        %dma_start3A_262 = arith.constant 0 : i32
        %dma_start3A_263 = tpu.memref_slice %arg2[%dma_start3A_261, %dma_start3A_262] : memref<1000000x32xf32, #tpu.memory_space<hbm>> -> memref<1000000x32xf32, #tpu.memory_space<hbm>>
        tpu.enqueue_indirect_dma source(%dma_start3A_263 : memref<1000000x32xf32, #tpu.memory_space<hbm>>) target(%arg16 : memref<400x32xf32, #tpu.memory_space<vmem>>) offsets(%arg8 : memref<400xi32, #tpu.memory_space<vmem>>) semaphore(%arg24 : memref<!tpu.dma_semaphore, #tpu.memory_space<semaphore_mem>>)
      } else {
      }
      %mul3A_185 = arith.constant 8 : i32
      %mul3A_186 = arith.muli %scan3A_73, %mul3A_185 : i32
      %add3A_187 = arith.constant 5 : i32
      %add3A_188 = arith.addi %mul3A_186, %add3A_187 : i32
      %dma_wait3A_189 = arith.constant 0 : i32
      %dma_wait3A_190 = arith.constant 0 : i32
      %dma_wait3A_191 = tpu.memref_slice %arg2[%dma_wait3A_189, %dma_wait3A_190] : memref<1000000x32xf32, #tpu.memory_space<hbm>> -> memref<1000000x32xf32, #tpu.memory_space<hbm>>
      tpu.wait_indirect_dma semaphore(%arg26 : memref<!tpu.dma_semaphore, #tpu.memory_space<semaphore_mem>>) src(%dma_wait3A_191 : memref<1000000x32xf32, #tpu.memory_space<hbm>>) dst(%arg18 : memref<400x32xf32, #tpu.memory_space<vmem>>)
      %mul3A_192 = arith.constant 400 : i32
      %mul3A_193 = arith.muli %add3A_188, %mul3A_192 : i32
      %add3A_194 = arith.addi %mul3A_2, %mul3A_193 : i32
      %dma_start3A_195 = arith.constant 0 : i32
      %dma_start3A_196 = tpu.memref_slice %arg4[%add3A_194, %dma_start3A_195] : memref<3276800x32xf32, #tpu.memory_space<hbm>> -> memref<400x32xf32, #tpu.memory_space<hbm>>
      %dma_start3A_197 = arith.constant 0 : i32
      %dma_start3A_198 = tpu.memref_slice %arg4[%add3A_194, %dma_start3A_197] : memref<3276800x32xf32, #tpu.memory_space<hbm>> -> memref<400x32xf32, #tpu.memory_space<hbm>>
      tpu.enqueue_dma source(%arg18 : memref<400x32xf32, #tpu.memory_space<vmem>>) target(%dma_start3A_198 : memref<400x32xf32, #tpu.memory_space<hbm>>) target_semaphore(%arg34 : memref<!tpu.dma_semaphore, #tpu.memory_space<semaphore_mem>>)
      %add3A_199 = arith.constant 8 : i32
      %add3A_200 = arith.addi %add3A_188, %add3A_199 : i32
      %sub3A_201 = arith.constant 1 : i32
      %sub3A_202 = arith.subi %add3A_200, %sub3A_201 : i32
      %lt3A_203 = arith.constant 256 : i32
      %lt3A_204 = arith.cmpi slt, %sub3A_202, %lt3A_203 : i32
      %convert_element_type3A_205 = arith.extui %lt3A_204 : i1 to i32
      %cond3A_206 = arith.constant 0 : i32
      %cond3A_207 = arith.cmpi ne, %convert_element_type3A_205, %cond3A_206 : i32
      scf.if %cond3A_207 {
        %ge3A = arith.constant 8 : i32
        %ge3A_254 = arith.cmpi sge, %sub3A_202, %ge3A : i32
        %convert_element_type3A_255 = arith.extui %ge3A_254 : i1 to i32
        %cond3A_256 = arith.constant 0 : i32
        %cond3A_257 = arith.cmpi ne, %convert_element_type3A_255, %cond3A_256 : i32
        scf.if %cond3A_257 {
          %dma_wait3A_264 = arith.constant 0 : i32
          %dma_wait3A_265 = tpu.memref_slice %arg4[%mul3A_2, %dma_wait3A_264] : memref<3276800x32xf32, #tpu.memory_space<hbm>> -> memref<400x32xf32, #tpu.memory_space<hbm>>
          %dma_wait3A_266 = arith.constant 0 : i32
          %dma_wait3A_267 = tpu.memref_slice %arg4[%mul3A_2, %dma_wait3A_266] : memref<3276800x32xf32, #tpu.memory_space<hbm>> -> memref<400x32xf32, #tpu.memory_space<hbm>>
          tpu.wait_dma2 semaphore(%arg33 : memref<!tpu.dma_semaphore, #tpu.memory_space<semaphore_mem>>) src(%arg17 : memref<400x32xf32, #tpu.memory_space<vmem>>) dst(%dma_wait3A_267 : memref<400x32xf32, #tpu.memory_space<hbm>>)
        } else {
        }
        %mul3A_258 = arith.constant 400 : i32
        %mul3A_259 = arith.muli %sub3A_202, %mul3A_258 : i32
        %add3A_260 = arith.addi %mul3A_2, %mul3A_259 : i32
        "tpu.region"() ({
          %run_scoped3A = tpu.sem_alloc : memref<!tpu.dma_semaphore, #tpu.memory_space<semaphore_mem>>
          %dma_start3A_264 = tpu.memref_slice %arg3[%add3A_260] : memref<3276800xi32, #tpu.memory_space<hbm>> -> memref<400xi32, #tpu.memory_space<hbm>>
          %dma_start3A_265 = tpu.memref_slice %arg3[%add3A_260] : memref<3276800xi32, #tpu.memory_space<hbm>> -> memref<400xi32, #tpu.memory_space<hbm>>
          tpu.enqueue_dma source(%dma_start3A_265 : memref<400xi32, #tpu.memory_space<hbm>>) target(%arg9 : memref<400xi32, #tpu.memory_space<vmem>>) target_semaphore(%run_scoped3A : memref<!tpu.dma_semaphore, #tpu.memory_space<semaphore_mem>>)
          %dma_wait3A_266 = tpu.memref_slice %arg3[%add3A_260] : memref<3276800xi32, #tpu.memory_space<hbm>> -> memref<400xi32, #tpu.memory_space<hbm>>
          %dma_wait3A_267 = tpu.memref_slice %arg3[%add3A_260] : memref<3276800xi32, #tpu.memory_space<hbm>> -> memref<400xi32, #tpu.memory_space<hbm>>
          tpu.wait_dma2 semaphore(%run_scoped3A : memref<!tpu.dma_semaphore, #tpu.memory_space<semaphore_mem>>) src(%dma_wait3A_267 : memref<400xi32, #tpu.memory_space<hbm>>) dst(%arg9 : memref<400xi32, #tpu.memory_space<vmem>>)
          tpu.yield
        }) : () -> ()
        %dma_start3A_261 = arith.constant 0 : i32
        %dma_start3A_262 = arith.constant 0 : i32
        %dma_start3A_263 = tpu.memref_slice %arg2[%dma_start3A_261, %dma_start3A_262] : memref<1000000x32xf32, #tpu.memory_space<hbm>> -> memref<1000000x32xf32, #tpu.memory_space<hbm>>
        tpu.enqueue_indirect_dma source(%dma_start3A_263 : memref<1000000x32xf32, #tpu.memory_space<hbm>>) target(%arg17 : memref<400x32xf32, #tpu.memory_space<vmem>>) offsets(%arg9 : memref<400xi32, #tpu.memory_space<vmem>>) semaphore(%arg25 : memref<!tpu.dma_semaphore, #tpu.memory_space<semaphore_mem>>)
      } else {
      }
      %mul3A_208 = arith.constant 8 : i32
      %mul3A_209 = arith.muli %scan3A_73, %mul3A_208 : i32
      %add3A_210 = arith.constant 6 : i32
      %add3A_211 = arith.addi %mul3A_209, %add3A_210 : i32
      %dma_wait3A_212 = arith.constant 0 : i32
      %dma_wait3A_213 = arith.constant 0 : i32
      %dma_wait3A_214 = tpu.memref_slice %arg2[%dma_wait3A_212, %dma_wait3A_213] : memref<1000000x32xf32, #tpu.memory_space<hbm>> -> memref<1000000x32xf32, #tpu.memory_space<hbm>>
      tpu.wait_indirect_dma semaphore(%arg27 : memref<!tpu.dma_semaphore, #tpu.memory_space<semaphore_mem>>) src(%dma_wait3A_214 : memref<1000000x32xf32, #tpu.memory_space<hbm>>) dst(%arg19 : memref<400x32xf32, #tpu.memory_space<vmem>>)
      %mul3A_215 = arith.constant 400 : i32
      %mul3A_216 = arith.muli %add3A_211, %mul3A_215 : i32
      %add3A_217 = arith.addi %mul3A_2, %mul3A_216 : i32
      %dma_start3A_218 = arith.constant 0 : i32
      %dma_start3A_219 = tpu.memref_slice %arg4[%add3A_217, %dma_start3A_218] : memref<3276800x32xf32, #tpu.memory_space<hbm>> -> memref<400x32xf32, #tpu.memory_space<hbm>>
      %dma_start3A_220 = arith.constant 0 : i32
      %dma_start3A_221 = tpu.memref_slice %arg4[%add3A_217, %dma_start3A_220] : memref<3276800x32xf32, #tpu.memory_space<hbm>> -> memref<400x32xf32, #tpu.memory_space<hbm>>
      tpu.enqueue_dma source(%arg19 : memref<400x32xf32, #tpu.memory_space<vmem>>) target(%dma_start3A_221 : memref<400x32xf32, #tpu.memory_space<hbm>>) target_semaphore(%arg35 : memref<!tpu.dma_semaphore, #tpu.memory_space<semaphore_mem>>)
      %add3A_222 = arith.constant 8 : i32
      %add3A_223 = arith.addi %add3A_211, %add3A_222 : i32
      %sub3A_224 = arith.constant 1 : i32
      %sub3A_225 = arith.subi %add3A_223, %sub3A_224 : i32
      %lt3A_226 = arith.constant 256 : i32
      %lt3A_227 = arith.cmpi slt, %sub3A_225, %lt3A_226 : i32
      %convert_element_type3A_228 = arith.extui %lt3A_227 : i1 to i32
      %cond3A_229 = arith.constant 0 : i32
      %cond3A_230 = arith.cmpi ne, %convert_element_type3A_228, %cond3A_229 : i32
      scf.if %cond3A_230 {
        %ge3A = arith.constant 8 : i32
        %ge3A_254 = arith.cmpi sge, %sub3A_225, %ge3A : i32
        %convert_element_type3A_255 = arith.extui %ge3A_254 : i1 to i32
        %cond3A_256 = arith.constant 0 : i32
        %cond3A_257 = arith.cmpi ne, %convert_element_type3A_255, %cond3A_256 : i32
        scf.if %cond3A_257 {
          %dma_wait3A_264 = arith.constant 0 : i32
          %dma_wait3A_265 = tpu.memref_slice %arg4[%mul3A_2, %dma_wait3A_264] : memref<3276800x32xf32, #tpu.memory_space<hbm>> -> memref<400x32xf32, #tpu.memory_space<hbm>>
          %dma_wait3A_266 = arith.constant 0 : i32
          %dma_wait3A_267 = tpu.memref_slice %arg4[%mul3A_2, %dma_wait3A_266] : memref<3276800x32xf32, #tpu.memory_space<hbm>> -> memref<400x32xf32, #tpu.memory_space<hbm>>
          tpu.wait_dma2 semaphore(%arg34 : memref<!tpu.dma_semaphore, #tpu.memory_space<semaphore_mem>>) src(%arg18 : memref<400x32xf32, #tpu.memory_space<vmem>>) dst(%dma_wait3A_267 : memref<400x32xf32, #tpu.memory_space<hbm>>)
        } else {
        }
        %mul3A_258 = arith.constant 400 : i32
        %mul3A_259 = arith.muli %sub3A_225, %mul3A_258 : i32
        %add3A_260 = arith.addi %mul3A_2, %mul3A_259 : i32
        "tpu.region"() ({
          %run_scoped3A = tpu.sem_alloc : memref<!tpu.dma_semaphore, #tpu.memory_space<semaphore_mem>>
          %dma_start3A_264 = tpu.memref_slice %arg3[%add3A_260] : memref<3276800xi32, #tpu.memory_space<hbm>> -> memref<400xi32, #tpu.memory_space<hbm>>
          %dma_start3A_265 = tpu.memref_slice %arg3[%add3A_260] : memref<3276800xi32, #tpu.memory_space<hbm>> -> memref<400xi32, #tpu.memory_space<hbm>>
          tpu.enqueue_dma source(%dma_start3A_265 : memref<400xi32, #tpu.memory_space<hbm>>) target(%arg10 : memref<400xi32, #tpu.memory_space<vmem>>) target_semaphore(%run_scoped3A : memref<!tpu.dma_semaphore, #tpu.memory_space<semaphore_mem>>)
          %dma_wait3A_266 = tpu.memref_slice %arg3[%add3A_260] : memref<3276800xi32, #tpu.memory_space<hbm>> -> memref<400xi32, #tpu.memory_space<hbm>>
          %dma_wait3A_267 = tpu.memref_slice %arg3[%add3A_260] : memref<3276800xi32, #tpu.memory_space<hbm>> -> memref<400xi32, #tpu.memory_space<hbm>>
          tpu.wait_dma2 semaphore(%run_scoped3A : memref<!tpu.dma_semaphore, #tpu.memory_space<semaphore_mem>>) src(%dma_wait3A_267 : memref<400xi32, #tpu.memory_space<hbm>>) dst(%arg10 : memref<400xi32, #tpu.memory_space<vmem>>)
          tpu.yield
        }) : () -> ()
        %dma_start3A_261 = arith.constant 0 : i32
        %dma_start3A_262 = arith.constant 0 : i32
        %dma_start3A_263 = tpu.memref_slice %arg2[%dma_start3A_261, %dma_start3A_262] : memref<1000000x32xf32, #tpu.memory_space<hbm>> -> memref<1000000x32xf32, #tpu.memory_space<hbm>>
        tpu.enqueue_indirect_dma source(%dma_start3A_263 : memref<1000000x32xf32, #tpu.memory_space<hbm>>) target(%arg18 : memref<400x32xf32, #tpu.memory_space<vmem>>) offsets(%arg10 : memref<400xi32, #tpu.memory_space<vmem>>) semaphore(%arg26 : memref<!tpu.dma_semaphore, #tpu.memory_space<semaphore_mem>>)
      } else {
      }
      %mul3A_231 = arith.constant 8 : i32
      %mul3A_232 = arith.muli %scan3A_73, %mul3A_231 : i32
      %add3A_233 = arith.constant 7 : i32
      %add3A_234 = arith.addi %mul3A_232, %add3A_233 : i32
      %dma_wait3A_235 = arith.constant 0 : i32
      %dma_wait3A_236 = arith.constant 0 : i32
      %dma_wait3A_237 = tpu.memref_slice %arg2[%dma_wait3A_235, %dma_wait3A_236] : memref<1000000x32xf32, #tpu.memory_space<hbm>> -> memref<1000000x32xf32, #tpu.memory_space<hbm>>
      tpu.wait_indirect_dma semaphore(%arg28 : memref<!tpu.dma_semaphore, #tpu.memory_space<semaphore_mem>>) src(%dma_wait3A_237 : memref<1000000x32xf32, #tpu.memory_space<hbm>>) dst(%arg20 : memref<400x32xf32, #tpu.memory_space<vmem>>)
      %mul3A_238 = arith.constant 400 : i32
      %mul3A_239 = arith.muli %add3A_234, %mul3A_238 : i32
      %add3A_240 = arith.addi %mul3A_2, %mul3A_239 : i32
      %dma_start3A_241 = arith.constant 0 : i32
      %dma_start3A_242 = tpu.memref_slice %arg4[%add3A_240, %dma_start3A_241] : memref<3276800x32xf32, #tpu.memory_space<hbm>> -> memref<400x32xf32, #tpu.memory_space<hbm>>
      %dma_start3A_243 = arith.constant 0 : i32
      %dma_start3A_244 = tpu.memref_slice %arg4[%add3A_240, %dma_start3A_243] : memref<3276800x32xf32, #tpu.memory_space<hbm>> -> memref<400x32xf32, #tpu.memory_space<hbm>>
      tpu.enqueue_dma source(%arg20 : memref<400x32xf32, #tpu.memory_space<vmem>>) target(%dma_start3A_244 : memref<400x32xf32, #tpu.memory_space<hbm>>) target_semaphore(%arg36 : memref<!tpu.dma_semaphore, #tpu.memory_space<semaphore_mem>>)
      %add3A_245 = arith.constant 8 : i32
      %add3A_246 = arith.addi %add3A_234, %add3A_245 : i32
      %sub3A_247 = arith.constant 1 : i32
      %sub3A_248 = arith.subi %add3A_246, %sub3A_247 : i32
      %lt3A_249 = arith.constant 256 : i32
      %lt3A_250 = arith.cmpi slt, %sub3A_248, %lt3A_249 : i32
      %convert_element_type3A_251 = arith.extui %lt3A_250 : i1 to i32
      %cond3A_252 = arith.constant 0 : i32
      %cond3A_253 = arith.cmpi ne, %convert_element_type3A_251, %cond3A_252 : i32
      scf.if %cond3A_253 {
        %ge3A = arith.constant 8 : i32
        %ge3A_254 = arith.cmpi sge, %sub3A_248, %ge3A : i32
        %convert_element_type3A_255 = arith.extui %ge3A_254 : i1 to i32
        %cond3A_256 = arith.constant 0 : i32
        %cond3A_257 = arith.cmpi ne, %convert_element_type3A_255, %cond3A_256 : i32
        scf.if %cond3A_257 {
          %dma_wait3A_264 = arith.constant 0 : i32
          %dma_wait3A_265 = tpu.memref_slice %arg4[%mul3A_2, %dma_wait3A_264] : memref<3276800x32xf32, #tpu.memory_space<hbm>> -> memref<400x32xf32, #tpu.memory_space<hbm>>
          %dma_wait3A_266 = arith.constant 0 : i32
          %dma_wait3A_267 = tpu.memref_slice %arg4[%mul3A_2, %dma_wait3A_266] : memref<3276800x32xf32, #tpu.memory_space<hbm>> -> memref<400x32xf32, #tpu.memory_space<hbm>>
          tpu.wait_dma2 semaphore(%arg35 : memref<!tpu.dma_semaphore, #tpu.memory_space<semaphore_mem>>) src(%arg19 : memref<400x32xf32, #tpu.memory_space<vmem>>) dst(%dma_wait3A_267 : memref<400x32xf32, #tpu.memory_space<hbm>>)
        } else {
        }
        %mul3A_258 = arith.constant 400 : i32
        %mul3A_259 = arith.muli %sub3A_248, %mul3A_258 : i32
        %add3A_260 = arith.addi %mul3A_2, %mul3A_259 : i32
        "tpu.region"() ({
          %run_scoped3A = tpu.sem_alloc : memref<!tpu.dma_semaphore, #tpu.memory_space<semaphore_mem>>
          %dma_start3A_264 = tpu.memref_slice %arg3[%add3A_260] : memref<3276800xi32, #tpu.memory_space<hbm>> -> memref<400xi32, #tpu.memory_space<hbm>>
          %dma_start3A_265 = tpu.memref_slice %arg3[%add3A_260] : memref<3276800xi32, #tpu.memory_space<hbm>> -> memref<400xi32, #tpu.memory_space<hbm>>
          tpu.enqueue_dma source(%dma_start3A_265 : memref<400xi32, #tpu.memory_space<hbm>>) target(%arg11 : memref<400xi32, #tpu.memory_space<vmem>>) target_semaphore(%run_scoped3A : memref<!tpu.dma_semaphore, #tpu.memory_space<semaphore_mem>>)
          %dma_wait3A_266 = tpu.memref_slice %arg3[%add3A_260] : memref<3276800xi32, #tpu.memory_space<hbm>> -> memref<400xi32, #tpu.memory_space<hbm>>
          %dma_wait3A_267 = tpu.memref_slice %arg3[%add3A_260] : memref<3276800xi32, #tpu.memory_space<hbm>> -> memref<400xi32, #tpu.memory_space<hbm>>
          tpu.wait_dma2 semaphore(%run_scoped3A : memref<!tpu.dma_semaphore, #tpu.memory_space<semaphore_mem>>) src(%dma_wait3A_267 : memref<400xi32, #tpu.memory_space<hbm>>) dst(%arg11 : memref<400xi32, #tpu.memory_space<vmem>>)
          tpu.yield
        }) : () -> ()
        %dma_start3A_261 = arith.constant 0 : i32
        %dma_start3A_262 = arith.constant 0 : i32
        %dma_start3A_263 = tpu.memref_slice %arg2[%dma_start3A_261, %dma_start3A_262] : memref<1000000x32xf32, #tpu.memory_space<hbm>> -> memref<1000000x32xf32, #tpu.memory_space<hbm>>
        tpu.enqueue_indirect_dma source(%dma_start3A_263 : memref<1000000x32xf32, #tpu.memory_space<hbm>>) target(%arg19 : memref<400x32xf32, #tpu.memory_space<vmem>>) offsets(%arg11 : memref<400xi32, #tpu.memory_space<vmem>>) semaphore(%arg27 : memref<!tpu.dma_semaphore, #tpu.memory_space<semaphore_mem>>)
      } else {
      }
    }
    %scan3A_41 = arith.constant 32 : i32
    %dma_wait3A = arith.constant 0 : i32
    %dma_wait3A_42 = tpu.memref_slice %arg4[%mul3A_2, %dma_wait3A] : memref<3276800x32xf32, #tpu.memory_space<hbm>> -> memref<400x32xf32, #tpu.memory_space<hbm>>
    %dma_wait3A_43 = arith.constant 0 : i32
    %dma_wait3A_44 = tpu.memref_slice %arg4[%mul3A_2, %dma_wait3A_43] : memref<3276800x32xf32, #tpu.memory_space<hbm>> -> memref<400x32xf32, #tpu.memory_space<hbm>>
    tpu.wait_dma2 semaphore(%arg29 : memref<!tpu.dma_semaphore, #tpu.memory_space<semaphore_mem>>) src(%arg13 : memref<400x32xf32, #tpu.memory_space<vmem>>) dst(%dma_wait3A_44 : memref<400x32xf32, #tpu.memory_space<hbm>>)
    %dma_wait3A_45 = arith.constant 0 : i32
    %dma_wait3A_46 = tpu.memref_slice %arg4[%mul3A_2, %dma_wait3A_45] : memref<3276800x32xf32, #tpu.memory_space<hbm>> -> memref<400x32xf32, #tpu.memory_space<hbm>>
    %dma_wait3A_47 = arith.constant 0 : i32
    %dma_wait3A_48 = tpu.memref_slice %arg4[%mul3A_2, %dma_wait3A_47] : memref<3276800x32xf32, #tpu.memory_space<hbm>> -> memref<400x32xf32, #tpu.memory_space<hbm>>
    tpu.wait_dma2 semaphore(%arg30 : memref<!tpu.dma_semaphore, #tpu.memory_space<semaphore_mem>>) src(%arg14 : memref<400x32xf32, #tpu.memory_space<vmem>>) dst(%dma_wait3A_48 : memref<400x32xf32, #tpu.memory_space<hbm>>)
    %dma_wait3A_49 = arith.constant 0 : i32
    %dma_wait3A_50 = tpu.memref_slice %arg4[%mul3A_2, %dma_wait3A_49] : memref<3276800x32xf32, #tpu.memory_space<hbm>> -> memref<400x32xf32, #tpu.memory_space<hbm>>
    %dma_wait3A_51 = arith.constant 0 : i32
    %dma_wait3A_52 = tpu.memref_slice %arg4[%mul3A_2, %dma_wait3A_51] : memref<3276800x32xf32, #tpu.memory_space<hbm>> -> memref<400x32xf32, #tpu.memory_space<hbm>>
    tpu.wait_dma2 semaphore(%arg31 : memref<!tpu.dma_semaphore, #tpu.memory_space<semaphore_mem>>) src(%arg15 : memref<400x32xf32, #tpu.memory_space<vmem>>) dst(%dma_wait3A_52 : memref<400x32xf32, #tpu.memory_space<hbm>>)
    %dma_wait3A_53 = arith.constant 0 : i32
    %dma_wait3A_54 = tpu.memref_slice %arg4[%mul3A_2, %dma_wait3A_53] : memref<3276800x32xf32, #tpu.memory_space<hbm>> -> memref<400x32xf32, #tpu.memory_space<hbm>>
    %dma_wait3A_55 = arith.constant 0 : i32
    %dma_wait3A_56 = tpu.memref_slice %arg4[%mul3A_2, %dma_wait3A_55] : memref<3276800x32xf32, #tpu.memory_space<hbm>> -> memref<400x32xf32, #tpu.memory_space<hbm>>
    tpu.wait_dma2 semaphore(%arg32 : memref<!tpu.dma_semaphore, #tpu.memory_space<semaphore_mem>>) src(%arg16 : memref<400x32xf32, #tpu.memory_space<vmem>>) dst(%dma_wait3A_56 : memref<400x32xf32, #tpu.memory_space<hbm>>)
    %dma_wait3A_57 = arith.constant 0 : i32
    %dma_wait3A_58 = tpu.memref_slice %arg4[%mul3A_2, %dma_wait3A_57] : memref<3276800x32xf32, #tpu.memory_space<hbm>> -> memref<400x32xf32, #tpu.memory_space<hbm>>
    %dma_wait3A_59 = arith.constant 0 : i32
    %dma_wait3A_60 = tpu.memref_slice %arg4[%mul3A_2, %dma_wait3A_59] : memref<3276800x32xf32, #tpu.memory_space<hbm>> -> memref<400x32xf32, #tpu.memory_space<hbm>>
    tpu.wait_dma2 semaphore(%arg33 : memref<!tpu.dma_semaphore, #tpu.memory_space<semaphore_mem>>) src(%arg17 : memref<400x32xf32, #tpu.memory_space<vmem>>) dst(%dma_wait3A_60 : memref<400x32xf32, #tpu.memory_space<hbm>>)
    %dma_wait3A_61 = arith.constant 0 : i32
    %dma_wait3A_62 = tpu.memref_slice %arg4[%mul3A_2, %dma_wait3A_61] : memref<3276800x32xf32, #tpu.memory_space<hbm>> -> memref<400x32xf32, #tpu.memory_space<hbm>>
    %dma_wait3A_63 = arith.constant 0 : i32
    %dma_wait3A_64 = tpu.memref_slice %arg4[%mul3A_2, %dma_wait3A_63] : memref<3276800x32xf32, #tpu.memory_space<hbm>> -> memref<400x32xf32, #tpu.memory_space<hbm>>
    tpu.wait_dma2 semaphore(%arg34 : memref<!tpu.dma_semaphore, #tpu.memory_space<semaphore_mem>>) src(%arg18 : memref<400x32xf32, #tpu.memory_space<vmem>>) dst(%dma_wait3A_64 : memref<400x32xf32, #tpu.memory_space<hbm>>)
    %dma_wait3A_65 = arith.constant 0 : i32
    %dma_wait3A_66 = tpu.memref_slice %arg4[%mul3A_2, %dma_wait3A_65] : memref<3276800x32xf32, #tpu.memory_space<hbm>> -> memref<400x32xf32, #tpu.memory_space<hbm>>
    %dma_wait3A_67 = arith.constant 0 : i32
    %dma_wait3A_68 = tpu.memref_slice %arg4[%mul3A_2, %dma_wait3A_67] : memref<3276800x32xf32, #tpu.memory_space<hbm>> -> memref<400x32xf32, #tpu.memory_space<hbm>>
    tpu.wait_dma2 semaphore(%arg35 : memref<!tpu.dma_semaphore, #tpu.memory_space<semaphore_mem>>) src(%arg19 : memref<400x32xf32, #tpu.memory_space<vmem>>) dst(%dma_wait3A_68 : memref<400x32xf32, #tpu.memory_space<hbm>>)
    %dma_wait3A_69 = arith.constant 0 : i32
    %dma_wait3A_70 = tpu.memref_slice %arg4[%mul3A_2, %dma_wait3A_69] : memref<3276800x32xf32, #tpu.memory_space<hbm>> -> memref<400x32xf32, #tpu.memory_space<hbm>>
    %dma_wait3A_71 = arith.constant 0 : i32
    %dma_wait3A_72 = tpu.memref_slice %arg4[%mul3A_2, %dma_wait3A_71] : memref<3276800x32xf32, #tpu.memory_space<hbm>> -> memref<400x32xf32, #tpu.memory_space<hbm>>
    tpu.wait_dma2 semaphore(%arg36 : memref<!tpu.dma_semaphore, #tpu.memory_space<semaphore_mem>>) src(%arg20 : memref<400x32xf32, #tpu.memory_space<vmem>>) dst(%dma_wait3A_72 : memref<400x32xf32, #tpu.memory_space<hbm>>)
    return
  }
}

</mosaic_0001>

<sc_bundles>
// kernel: kernel.3.cloned.1.call-start
scs
__scs_entry_jumppad:
0x0: {  	(pc) =	sbr.rel $0x88, $3  }
0x1: {  	(tag) =	ssettag $0x0;
	lr =	simm.s32 $0x1  }
0x2: {  	[smem:$0x3F9F] =	sst lr;
	_ =	strace $0xD0000000  }
0x3: {  	_ = 	snop  }
0x4: {  	_ = 	snop  }
0x5: {  	_ = 	snop  }
0x6: {  	_ = 	snop  }
0x7: {  	_ = 	snop  }
__scs_overlays_trampoline_lowered:
0x8: {  	[smem:$0x3FAE] =	sst s0  }
0x9: {  	[smem:$0x3FAF] =	sst s1  }
0xa: {  	[smem:$0x3FB0] =	sst s2  }
0xb: {  	[smem:$0x3FB1] =	sst s3  }
0xc: {  	[smem:$0x3FB2] =	sst s4  }
0xd: {  	[smem:$0x3FB3] =	sst s5  }
0xe: {  	[smem:$0x3FB4] =	sst s6  }
0xf: {  	[smem:$0x3FB5] =	sst s7  }
0x10: {  	[smem:$0x3FB6] =	sst s8  }
0x11: {  	[smem:$0x3FB7] =	sst s9;
	s0 =	simm.s32 @!p0 $0x0  }
0x12: {  	s1 =	sld [smem:$0x3F9D];
	s0 =	simm.s32 @p0 $0x1  }
0x13: {  	[smem:$0x3FB8] =	sst s0;
	s0 =	simm.s32 @!p1 $0x0  }
0x14: {  	s2 =	sld [smem:$0x3F9C];
	s0 =	simm.s32 @p1 $0x1  }
0x15: {  	[smem:$0x3FB9] =	sst s0;
	s0 =	simm.s32 @!p2 $0x0  }
0x16: {  	s3 =	sld [smem:$0x3FDB];
	s0 =	simm.s32 @p2 $0x1  }
0x17: {  	s4 =	simm.s32 $0x1BF5;
	[smem:$0x3FBB] =	sst s0  }
0x18: {  	s0 =	sld [smem:$0x3F9E];
	_ =	swait.ge [sflag:s4], $0x0  }
0x19: {  	s7 =	sld [smem:$0x3F9F]  }
0x1a: {  	s8 =	sadd.s32 $0xFFFFE003, lr  }
0x1b: {  	s9 =	sadd.s32 $0xFFFFFEF7, lr;
	s5 =	simm.s32 $0xFFFFFFFF;
	p2 =	slt.u32 s8, $0xFFFFF086  }
0x1c: {  	p1 =	slt.u32 s9, $0xF7A;
	s5 =	simm.s32 @!p2 $0x0  }
0x1d: {  	s5 =	simm.s32 @p1 $0x1;
	p0 =	seq.s32 s7, s2  }
0x1e: {  	s7 =	smul.u32 @!p0 $0xF7A, s2;
	p2 =	seq.s32 @!p0 s5, $0x0  }
0x1f: {  	s9 =	smul.u32 $0xF7A, s1;
	s8 =	simm.s32 @!p0 $0x1BF5;
	p2 =	por !p2, p0  }
0x20: {  	[sflag:s8] =	ssyncset.s32 @!p0 $0xFFFFF086;
	s6 =	sadd.s32 @!p0 s3, s7;
	s7 =	simm.s32 @!p0 $0x108  }
0x21: {  	s3 =	sadd.s32 s3, s9;
	s6 =	sadd.s32 @!p0 $0x88, s6;
	s7 =	simm.s32 @p2 $0x1082  }
0x22: {  	[simem:s7], [sflag:s8] =	dma.local @!p0 [hbm:s6], $0xF7A  }
0x23: {  	s9 =	sor.u32 $0xD0000000, s2;
	s6 =	simm.s32 $0x108;
	_ =	swait.ge @!p0 [sflag:s8], $0x0  }
0x24: {  	s3 =	sadd.s32 $0x88, s3;
	s6 =	simm.s32 @!p1 $0x1082;
	[sflag:s4] =	ssyncset.s32 $0xFFFFF086  }
0x25: {  	[simem:s6], [sflag:s4] =	dma.local [hbm:s3], $0xF7A  }
0x26: {  	[smem:$0x3F9F] =	sst s1;
	(tag) =	ssettag s2;
	_ =	strace s9  }
0x27: {  	s1 =	sld [smem:$0x3FAF]  }
0x28: {  	s2 =	sld [smem:$0x3FB0]  }
0x29: {  	s4 =	sld [smem:$0x3FB2]  }
0x2a: {  	p0 =	seq.s32 s5, $0x0;
	s5 =	sld [smem:$0x3FB3]  }
0x2b: {  	s6 =	sld [smem:$0x3FB4]  }
0x2c: {  	s7 =	sld [smem:$0x3FB5]  }
0x2d: {  	s3 =	simm.s32 $0x108;
	s8 =	sld [smem:$0x3FB6]  }
0x2e: {  	s3 =	simm.s32 @!p0 $0x1082;
	s9 =	sld [smem:$0x3FB7]  }
0x2f: {  	lr =	sadd.s32 s0, s3;
	s0 =	sld [smem:$0x3FAE]  }
0x30: {  	s3 =	sld [smem:$0x3FB1]  }
0x31: {  	[smem:$0x3FBA] =	sst s10  }
0x32: {  	s10 =	sld [smem:$0x3FB8];
	_ =	sdelay $0x3  }
0x33: {  	p0 =	seq.s32 s10, $0x1;
	s10 =	sld [smem:$0x3FBA];
	_ =	sdelay $0x3  }
0x34: {  	[smem:$0x3FBA] =	sst s10  }
0x35: {  	s10 =	sld [smem:$0x3FB9];
	_ =	sdelay $0x3  }
0x36: {  	p1 =	seq.s32 s10, $0x1;
	s10 =	sld [smem:$0x3FBA];
	_ =	sdelay $0x3  }
0x37: {  	[smem:$0x3FBA] =	sst s10  }
0x38: {  	s10 =	sld [smem:$0x3FBB]  }
0x39: {  	_ = 	snop;
	(pc) =	sbr.ind lr, $3  }
0x3a: {  	_ = 	snop  }
0x3b: {  	_ = 	snop  }
0x3c: {  	p2 =	seq.s32 s10, $0x1;
	s10 =	sld [smem:$0x3FBA]  }
0x3d: {  	_ =	shalt  }
0x3e: {  	_ =	shalt  }
0x3f: {  	_ =	shalt  }
0x40: {  	_ =	shalt  }
0x41: {  	_ =	shalt  }
0x42: {  	_ =	shalt  }
0x43: {  	_ =	shalt  }
0x44: {  	_ =	shalt  }
0x45: {  	_ =	shalt  }
0x46: {  	_ =	shalt  }
0x47: {  	_ =	shalt  }
0x48: {  	_ =	shalt  }
0x49: {  	_ =	shalt  }
0x4a: {  	_ =	shalt  }
0x4b: {  	_ =	shalt  }
0x4c: {  	_ =	shalt  }
0x4d: {  	_ =	shalt  }
0x4e: {  	_ =	shalt  }
0x4f: {  	_ =	shalt  }
0x50: {  	_ =	shalt  }
0x51: {  	_ =	shalt  }
0x52: {  	_ =	shalt  }
0x53: {  	_ =	shalt  }
0x54: {  	_ =	shalt  }
0x55: {  	_ =	shalt  }
0x56: {  	_ =	shalt  }
0x57: {  	_ =	shalt  }
0x58: {  	_ =	shalt  }
0x59: {  	_ =	shalt  }
0x5a: {  	_ =	shalt  }
0x5b: {  	_ =	shalt  }
0x5c: {  	_ =	shalt  }
0x5d: {  	_ =	shalt  }
0x5e: {  	_ =	shalt  }
0x5f: {  	_ =	shalt  }
0x60: {  	_ =	shalt  }
0x61: {  	_ =	shalt  }
0x62: {  	_ =	shalt  }
0x63: {  	_ =	shalt  }
0x64: {  	_ =	shalt  }
0x65: {  	_ =	shalt  }
0x66: {  	_ =	shalt  }
0x67: {  	_ =	shalt  }
0x68: {  	_ =	shalt  }
0x69: {  	_ =	shalt  }
0x6a: {  	_ =	shalt  }
0x6b: {  	_ =	shalt  }
0x6c: {  	_ =	shalt  }
0x6d: {  	_ =	shalt  }
0x6e: {  	_ =	shalt  }
0x6f: {  	_ =	shalt  }
0x70: {  	_ =	shalt  }
0x71: {  	_ =	shalt  }
0x72: {  	_ =	shalt  }
0x73: {  	_ =	shalt  }
0x74: {  	_ =	shalt  }
0x75: {  	_ =	shalt  }
0x76: {  	_ =	shalt  }
0x77: {  	_ =	shalt  }
0x78: {  	_ =	shalt  }
0x79: {  	_ =	shalt  }
0x7a: {  	_ =	shalt  }
0x7b: {  	_ =	shalt  }
0x7c: {  	_ =	shalt  }
0x7d: {  	_ =	shalt  }
0x7e: {  	_ =	shalt  }
0x7f: {  	_ =	shalt  }
0x80: {  	_ =	shalt  }
0x81: {  	_ =	shalt  }
0x82: {  	_ =	shalt  }
0x83: {  	_ =	shalt  }
0x84: {  	_ =	shalt  }
0x85: {  	_ =	shalt  }
0x86: {  	_ =	shalt  }
0x87: {  	_ =	shalt  }
.Lfunc_end0:
.L_simem_size_0:
called_computation.1_lowered:
.L_overlay_start_0:
0x88: {  	s2 =	sld [smem:$0x3FD9]  }
0x89: {  	s3 =	sld [smem:$0x3FFE];
	_ =	sdelay $0x1  }
0x8a: {  	s1 =	srdreg.scid  }
0x8b: {  	s0 =	sand.u32 $0x1, s1  }
0x8c: {  	s17 =	sshll.u32 s0, $0xA;
	s2 =	sadd.s32 s3, s2  }
0x8d: {  	s2 =	sadd.s32 s2, s17  }
0x8e: {  	[smem:$0x3FC6] =	sst s2  }
0x8f: {  	_ = 	snop  }
0x90: {  	s2 =	sld [smem:$0x3FD0];
	(tm) =	ssettm $0x1  }
0x91: {  	s18 =	sld [smem:$0x3FFB];
	_ =	sdelay $0x3  }
0x92: {  	_ =	strace s18  }
0x93: {  	s3 =	sld [smem:$0x3FFC];
	_ =	sdelay $0x3  }
0x94: {  	_ =	strace s3  }
0x95: {  	s3 =	sld [smem:$0x3FFD];
	_ =	sdelay $0x3  }
0x96: {  	_ =	strace s3  }
0x97: {  	_ =	strace $0x8FFFFFFF  }
0x98: {  	s19 =	sld [smem:$0x3FDB];
	_ =	sdelay $0x1  }
0x99: {  	s4 =	simm.s32 $_scs_section_size  }
0x9a: {  	s5 =	simm.s32 $_size__tile_overlayer_lowered;
	s6 =	simm.s32 $_tile_overlayer_lowered  }
0x9b: {  	s22 =	simm.s32 $0x1BFF;
	s21 =	sshll.u32 s6, $0x1;
	s3 =	sadd.s32 s4, s19  }
0x9c: {  	s7 =	simm.s32 $0x0;
	s20 =	sshll.u32 s5, $0x1;
	s5 =	sadd.s32 s21, s3  }
0x9d: {  	[timem:s7], [sflag:s22] =	dma.local [hbm:s5], s20  }
0x9e: {  	_ =	swait.ge [sflag:s22], s20  }
0x9f: {  	s4 =	ssub.s32 $0x0, s20;
	[sflag:s22] =	ssyncset.done $0x0  }
0xa0: {  	[sflag:s22] =	ssyncadd.s32 s4;
	_ =	sdelay $0x1  }
0xa1: {  	s23 =	simm.s32 $0x1B8B  }
0xa2: {  	_ =	swait.ge [sflag:s23], $0x1  }
0xa3: {  	[sflag:s23] =	ssyncset.done $0x0  }
0xa4: {  	s25 =	simm.s32 $0x1B8E;
	s24 =	sld [smem:$0x3FFE];
	[sflag:s23] =	ssyncadd.s32 $0xFFFFFFFF  }
0xa5: {  	s26 =	simm.s32 $execute0_lowered;
	[smem:$0x3FD2] =	sst s25  }
0xa6: {  	s5 =	sshll.u32 s26, $0x1;
	_ =	strace $0x80000046;
	[dreg:$0x1] =	wrdreg $0xFFFFFFFF  }
0xa7: {  	s28 =	simm.s32 $_size_execute0_lowered;
	s3 =	sadd.s32 s3, s5;
	[dreg:$0x0] =	wrdreg $0x0  }
0xa8: {  	s5 =	sshll.u32 s28, $0x1;
	[dreg:$0x2] =	wrdreg s3  }
0xa9: {  	[dreg:$0x3] =	wrdreg s5  }
0xaa: {  	[dreg:$0x4] =	wrdreg $0xC0  }
0xab: {  	_ =	task [dreg:s7], $0x5FFFF  }
0xac: {  	[dreg:$0x1] =	wrdreg $0xFFFFFFFF  }
0xad: {  	[dreg:$0x0] =	wrdreg $0x60  }
0xae: {  	[dreg:$0x2] =	wrdreg s24  }
0xaf: {  	[dreg:$0x3] =	wrdreg s2  }
0xb0: {  	[dreg:$0x4] =	wrdreg $0x9  }
0xb1: {  	_ =	task.clear_ibuf [dreg:s7], $0x5FFFF;
	_ =	strace $0x90000046  }
0xb2: {  	s29 =	simm.s32 $0x9;
	_ =	strace $0x80000048  }
0xb3: {  	_ =	swait.ge [sflag:s29], $0x1  }
0xb4: {  	[sflag:s29] =	ssyncadd.s32 $0xFFFFFFFF  }
0xb5: {  	_ =	strace $0x90000048  }
0xb6: {  	_ =	sfence  }
0xb7: {  	s30 =	sld [smem:$0x0];
	_ =	sdelay $0x2  }
0xb8: {  	s31 =	sshll.u32 s1, $0xD;
	s1 =	sshrl.u32 s1, $0x2  }
0xb9: {  	s3 =	sand.u32 $0x4000, s31;
	s1 =	sadd.s32 s1, s30  }
0xba: {  	s0 =	sor.u32 s3, s0;
	s1 =	sshll.u32 s1, $0x11  }
0xbb: {  	s0 =	sor.u32 s1, s0  }
0xbc: {  	s0 =	sadd.s32 $0x8F2B, s0  }
0xbd: {  	[sflag:s0] =	ssyncadd.remote.s32 $0x1  }
0xbe: {  	_ =	sfence.sel $0xFFFF  }
0xbf: {  	[dreg:$0x0] =	wrdreg $0xFFFFFFFF;
	(pc) =	sbr.abs _section_cstart, $3  }
0xc0: {  	[dreg:$0x1] =	wrdreg $0xFFFFFFFF  }
0xc1: {  	_ =	task.clear_ibuf [dreg:s7], $0x2FFFF;
	_ =	strace $0x9FFFFFFF  }
0xc2: {  	(tm) =	ssettm $0x7FFFFFFF  }
0xc3: {  	_ =	shalt  }
tec
execute0_lowered:
.L_overlay_start_1:
0x0: {  	(tag) =	ssettag $0x1  }
0x1: {  	s0 =	rddreg [dreg:$0x0];
	s1 =	srdreg.scid  }
0x2: {  	s9 =	stileid.u32;
	s10 =	rddreg [dreg:$0x1]  }
0x3: {  	s3 =	simm.s32 $0x0;
	s29 =	simm.s32 $0x7D0;
	s30 =	simm.s32 $0x10680  }
0x4: {  	s28 =	simm.s32 $0x5;
	s1 =	sand.u32 $0x1, s1;
	s6 =	smul.u32 $0x32000, s9  }
0x5: {  	s2 =	sshll.u32 s9, $0x1;
	[smem:$0x7FF] =	sst s3;
	s19 =	smul.u32 $0xC8000, s9  }
0x6: {  	s4 =	sadd.s32 $0xFA6C00, s0;
	s11 =	sadd.s32 $0x800, s0;
	s8 =	smul.u32 $0x19000, s1  }
0x7: {  	s2 =	sor.u32 s1, s2;
	s5 =	ssub.s32 $0x2, s1;
	s1 =	smul.u32 $0x64000, s1  }
0x8: {  	_ =	strace $0x80000047;
	s2 =	smul.u32 $0x19000, s2;
	s7 =	sshrl.u32 s5, $0x1  }
0x9: {  	[dreg:$0x3] =	wrdreg s11;
	s18 =	ssub.s32 s5, s7;
	s20 =	sadd.s32 s8, s6  }
0xa: {  	s8 =	sadd.s32 s1, s19;
	s5 =	simm.s32 $0x13880;
	s2 =	sshrl.u32 s2, $0x3  }
0xb: {  	s22 =	sor.u32 $0xAF0, s20;
	s0 =	smax.u32 s18, $0x1;
	s25 =	sadd.s32 $0x15E0, s20  }
0xc: {  	s1 =	sshll.u32 s20, $0x2;
	s6 =	sadd.s32 $0x12C0, s20;
	s13 =	sadd.s32 $0x1130, s20  }
0xd: {  	s14 =	sor.u32 $0xFA0, s20;
	s18 =	sor.u32 $0xE10, s20;
	[dreg:$0x8] =	wrdreg s8  }
0xe: {  	s19 =	sor.u32 $0xC80, s20;
	[dreg:$0x7] =	wrdreg s0;
	s26 =	sshrl.u32 s22, $0x3  }
0xf: {  	s7 =	sadd.s32 s11, s2;
	s11 =	sshrl.u32 s6, $0x3;
	[dreg:$0xa] =	wrdreg s26  }
0x10: {  	s31 =	sadd.s32 s10, s8;
	s16 =	sshrl.u32 s14, $0x3;
	[dreg:$0xe] =	wrdreg s11  }
0x11: {  	s8 =	simm.s32 $0x960;
	s24 =	sshll.u32 s22, $0x2;
	[dreg:$0x12] =	wrdreg s16  }
0x12: {  	s2 =	sadd.s32 $0x1450, s20;
	s21 =	sadd.s32 $0x32, s7;
	[dreg:$0x4] =	wrdreg s7  }
0x13: {  	s6 =	simm.s32 $0xAF0;
	s23 =	sadd.s32 $0x64, s7;
	[dreg:$0x5] =	wrdreg s21  }
0x14: {  	s14 =	simm.s32 $0x8;
	s0 =	sadd.s32 s24, s10;
	[dreg:$0x6] =	wrdreg s23  }
0x15: {  	s24 =	sshrl.u32 s19, $0x3;
	s20 =	sadd.s32 $0x96, s7;
	[dreg:$0x9] =	wrdreg s0  }
0x16: {  	s22 =	sadd.s32 $0xFA, s7;
	s26 =	sadd.s32 $0x12C, s7;
	[dreg:$0x15] =	wrdreg s20  }
0x17: {  	s11 =	simm.s32 $0x6;
	s0 =	sshrl.u32 s25, $0x3;
	[dreg:$0x17] =	wrdreg s22  }
0x18: {  	s21 =	sadd.s32 $0xC8, s7;
	[dreg:$0x18] =	wrdreg s26;
	s26 =	simm.s32 $0x1  }
0x19: {  	s7 =	simm.s32 $0x2;
	[dreg:$0xb] =	wrdreg s0;
	s0 =	sadd.s32 s1, s10  }
0x1a: {  	s1 =	sshrl.u32 s2, $0x3;
	[dreg:$0x16] =	wrdreg s21;
	s2 =	simm.s32 $0x16A80  }
0x1b: {  	s10 =	simm.s32 $0x4;
	[dreg:$0xc] =	wrdreg s1;
	s9 =	sadd.s32 $0x2580, s0  }
0x1c: {  	s12 =	sadd.s32 $0x1F40, s0;
	s1 =	sshrl.u32 s13, $0x3;
	[dreg:$0xd] =	wrdreg s9  }
0x1d: {  	s15 =	sadd.s32 $0x1900, s0;
	s17 =	sadd.s32 $0x12C0, s0;
	[dreg:$0xf] =	wrdreg s12  }
.Ltmp0:
0x1e: {  	s23 =	sadd.s32 $0xC80, s0;
	[dreg:$0x10] =	wrdreg s1;
	(pc) =	sbr.rel .LBB2_1-.Ltmp0, $4  }
0x1f: {  	s25 =	sadd.s32 $0x640, s0;
	s0 =	simm.s32 $0x190;
	[dreg:$0x11] =	wrdreg s15  }
0x20: {  	s13 =	simm.s32 $0x7;
	[dreg:$0x13] =	wrdreg s17;
	s1 =	sshrl.u32 s18, $0x3  }
0x21: {  	s9 =	simm.s32 $0x3;
	s12 =	simm.s32 $0xE;
	s15 =	simm.s32 $0xF  }
0x22: {  	s18 =	simm.s32 $0x0;
	[dreg:$0x14] =	wrdreg s1;
	s1 =	simm.s32 $0x11  }
.LBB2_4:
0x23: {  	s17 =	rddreg [dreg:$0x8];
	_ =	swait.ge [sflag:s14], $0x3200  }
0x24: {  	s16 =	sadd.s32 s16, s17;
	[sflag:s14] =	ssyncset.done $0x0  }
0x25: {  	s16 =	sadd.s32 $0x2BC0, s16;
	[sflag:s14] =	ssyncadd.s32 $0xFFFFCE00  }
0x26: {  	s16 =	sand.u32 $0x1FFFF9C0, s16;
	s21 =	rddreg [dreg:$0x1]  }
0x27: {  	s22 =	simm.s32 $0x9;
	s16 =	sadd.s32 s21, s16  }
0x28: {  	[hbm4b:s16+s3] =	stream.linear.scatter [tilespmem:s2], [sflag:$0x10], $0x3200, $0x38;
	[tilespmem:$0x19C80] =	vst v63  }
0x29: {  	_ =	swait.ge [sflag:s22], $0x3200  }
0x2a: {  	[sflag:s22] =	ssyncset.done $0x0  }
0x2b: {  	s17 =	simm.s32 $0xA;
	[sflag:s22] =	ssyncadd.s32 $0xFFFFCE00  }
0x2c: {  	_ =	swait.ge [sflag:s17], $0x3200  }
0x2d: {  	[sflag:s17] =	ssyncset.done $0x0  }
0x2e: {  	s18 =	simm.s32 $0xB;
	[sflag:s17] =	ssyncadd.s32 $0xFFFFCE00  }
0x2f: {  	_ =	swait.ge [sflag:s18], $0x3200  }
0x30: {  	[sflag:s18] =	ssyncset.done $0x0  }
0x31: {  	s19 =	simm.s32 $0xC;
	[sflag:s18] =	ssyncadd.s32 $0xFFFFCE00  }
0x32: {  	_ =	swait.ge [sflag:s19], $0x3200  }
0x33: {  	[sflag:s19] =	ssyncset.done $0x0  }
0x34: {  	s20 =	simm.s32 $0xD;
	[sflag:s19] =	ssyncadd.s32 $0xFFFFCE00  }
0x35: {  	_ =	swait.ge [sflag:s20], $0x3200  }
0x36: {  	[sflag:s20] =	ssyncset.done $0x0  }
0x37: {  	[sflag:s20] =	ssyncadd.s32 $0xFFFFCE00  }
0x38: {  	_ =	swait.ge [sflag:s12], $0x3200  }
0x39: {  	[sflag:s12] =	ssyncset.done $0x0  }
0x3a: {  	[sflag:s12] =	ssyncadd.s32 $0xFFFFCE00  }
0x3b: {  	_ =	swait.ge [sflag:s15], $0x3200  }
0x3c: {  	[sflag:s15] =	ssyncset.done $0x0  }
0x3d: {  	s21 =	simm.s32 $0x10;
	[sflag:s15] =	ssyncadd.s32 $0xFFFFCE00  }
0x3e: {  	_ =	swait.ge [sflag:s21], $0x3200  }
0x3f: {  	s18 =	rddreg [dreg:$0x19]  }
0x40: {  	s22 =	rddreg [dreg:$0x7];
	s18 =	sadd.s32 $0x1, s18  }
0x41: {  	p0 =	sne.s32 s18, s22  }
.Ltmp1:
0x42: {  	_ = 	snop;
	(pc) =	sbr.rel @!p0 .LBB2_5-.Ltmp1, $3  }
0x43: {  	_ =	sdelay $0x1  }
0x44: {  	[sflag:s21] =	ssyncset.done $0x0  }
0x45: {  	[sflag:s21] =	ssyncadd.s32 $0xFFFFCE00  }
.LBB2_1:
0x46: {  	[dreg:$0x19] =	wrdreg s18  }
0x47: {  	s16 =	rddreg [dreg:$0x4]  }
0x48: {  	[tilespmem:s3], [sflag:$0x11] =	stream.linear.gather [hbm4b:s16+s3], $0x190, $0x38;
	[tilespmem:$0x19C80] =	vst v63  }
0x49: {  	_ =	swait.ge [sflag:s1], $0x190  }
0x4a: {  	[sflag:s1] =	ssyncset.done $0x0  }
0x4b: {  	s21 =	simm.s32 $0xC80;
	[sflag:s1] =	ssyncadd.s32 $0xFFFFFE70  }
0x4c: {  	[tilespmem:s21], [sflag:$0x1] =	stream.indirect.gather [hbm4b:s4+s0], $0x20, s3, s0, $0xb8;
	[tilespmem:$0x19C80] =	vst v63  }
0x4d: {  	s22 =	rddreg [dreg:$0x5]  }
0x4e: {  	[tilespmem:s0], [sflag:$0x11] =	stream.linear.gather [hbm4b:s22+s3], $0x190, $0x38;
	[tilespmem:$0x19C80] =	vst v63  }
0x4f: {  	_ =	swait.ge [sflag:s1], $0x190  }
0x50: {  	[sflag:s1] =	ssyncset.done $0x0  }
0x51: {  	s17 =	simm.s32 $0x3E80;
	[sflag:s1] =	ssyncadd.s32 $0xFFFFFE70  }
0x52: {  	[tilespmem:s17], [sflag:$0x2] =	stream.indirect.gather [hbm4b:s4+s0], $0x20, s0, s0, $0xb8;
	[tilespmem:$0x19C80] =	vst v63  }
0x53: {  	s18 =	rddreg [dreg:$0x6];
	s17 =	simm.s32 $0x320  }
0x54: {  	[tilespmem:s17], [sflag:$0x11] =	stream.linear.gather [hbm4b:s18+s3], $0x190, $0x38;
	[tilespmem:$0x19C80] =	vst v63  }
0x55: {  	_ =	swait.ge [sflag:s1], $0x190  }
0x56: {  	[sflag:s1] =	ssyncset.done $0x0  }
0x57: {  	s19 =	simm.s32 $0x7080;
	[sflag:s1] =	ssyncadd.s32 $0xFFFFFE70  }
0x58: {  	[tilespmem:s19], [sflag:$0x3] =	stream.indirect.gather [hbm4b:s4+s0], $0x20, s17, s0, $0xb8;
	[tilespmem:$0x19C80] =	vst v63  }
0x59: {  	s21 =	simm.s32 $0x4B0;
	s20 =	rddreg [dreg:$0x15]  }
0x5a: {  	[tilespmem:s21], [sflag:$0x11] =	stream.linear.gather [hbm4b:s20+s3], $0x190, $0x38;
	[tilespmem:$0x19C80] =	vst v63  }
0x5b: {  	_ =	swait.ge [sflag:s1], $0x190  }
0x5c: {  	[sflag:s1] =	ssyncset.done $0x0  }
0x5d: {  	s22 =	simm.s32 $0xA280;
	[sflag:s1] =	ssyncadd.s32 $0xFFFFFE70  }
0x5e: {  	[tilespmem:s22], [sflag:$0x4] =	stream.indirect.gather [hbm4b:s4+s0], $0x20, s21, s0, $0xb8;
	[tilespmem:$0x19C80] =	vst v63  }
0x5f: {  	s19 =	simm.s32 $0x640;
	s18 =	rddreg [dreg:$0x16]  }
0x60: {  	[tilespmem:s19], [sflag:$0x11] =	stream.linear.gather [hbm4b:s18+s3], $0x190, $0x38;
	[tilespmem:$0x19C80] =	vst v63  }
0x61: {  	_ =	swait.ge [sflag:s1], $0x190  }
0x62: {  	[sflag:s1] =	ssyncset.done $0x0  }
0x63: {  	s20 =	simm.s32 $0xD480;
	[sflag:s1] =	ssyncadd.s32 $0xFFFFFE70  }
0x64: {  	[tilespmem:s20], [sflag:$0x5] =	stream.indirect.gather [hbm4b:s4+s0], $0x20, s19, s0, $0xb8;
	[tilespmem:$0x19C80] =	vst v63  }
0x65: {  	s21 =	rddreg [dreg:$0x17]  }
0x66: {  	[tilespmem:s29], [sflag:$0x11] =	stream.linear.gather [hbm4b:s21+s3], $0x190, $0x38;
	[tilespmem:$0x19C80] =	vst v63  }
0x67: {  	_ =	swait.ge [sflag:s1], $0x190  }
0x68: {  	[sflag:s1] =	ssyncset.done $0x0  }
0x69: {  	[sflag:s1] =	ssyncadd.s32 $0xFFFFFE70  }
0x6a: {  	[tilespmem:s30], [sflag:$0x6] =	stream.indirect.gather [hbm4b:s4+s0], $0x20, s29, s0, $0xb8;
	[tilespmem:$0x19C80] =	vst v63  }
0x6b: {  	s22 =	rddreg [dreg:$0x18]  }
0x6c: {  	[tilespmem:s8], [sflag:$0x11] =	stream.linear.gather [hbm4b:s22+s3], $0x190, $0x38;
	[tilespmem:$0x19C80] =	vst v63  }
0x6d: {  	_ =	swait.ge [sflag:s1], $0x190  }
0x6e: {  	[sflag:s1] =	ssyncset.done $0x0  }
0x6f: {  	s16 =	simm.s32 $0x0;
	s17 =	rddreg [dreg:$0x3];
	[sflag:s1] =	ssyncadd.s32 $0xFFFFFE70  }
0x70: {  	[tilespmem:s5], [sflag:$0x7] =	stream.indirect.gather [hbm4b:s4+s0], $0x20, s8, s0, $0xb8;
	[tilespmem:$0x19C80] =	vst v63  }
.LBB2_2:
0x71: {  	_ =	swait.ge [sflag:s26], $0x3200  }
0x72: {  	s18 =	sadd.s32 s16, s31;
	[sflag:s26] =	ssyncset.done $0x0  }
0x73: {  	s19 =	simm.s32 $0xC80;
	p0 =	seq.s32 s16, $0x0;
	[sflag:s26] =	ssyncadd.s32 $0xFFFFCE00  }
0x74: {  	[hbm4b:s18+s3] =	stream.linear.scatter [tilespmem:s19], [sflag:$0x9], $0x3200, $0x38;
	[tilespmem:$0x19C80] =	vst v63  }
0x75: {  	s18 =	simm.s32 @!p0 $0x10  }
0x76: {  	_ =	swait.ge @!p0 [sflag:s18], $0x3200  }
0x77: {  	[sflag:s18] =	ssyncset.done @!p0 $0x0;
	s19 =	rddreg [dreg:$0xa]  }
0x78: {  	[sflag:s18] =	ssyncadd.s32 @!p0 $0xFFFFCE00;
	s18 =	sadd.s32 s17, s19  }
0x79: {  	[tilespmem:s6], [sflag:$0x11] =	stream.linear.gather [hbm4b:s18+s3], $0x190, $0x38;
	[tilespmem:$0x19C80] =	vst v63  }
0x7a: {  	_ =	swait.ge [sflag:s1], $0x190  }
0x7b: {  	[sflag:s1] =	ssyncset.done $0x0  }
0x7c: {  	[sflag:s1] =	ssyncadd.s32 $0xFFFFFE70  }
0x7d: {  	[tilespmem:s2], [sflag:$0x8] =	stream.indirect.gather [hbm4b:s4+s0], $0x20, s6, s0, $0xb8;
	[tilespmem:$0x19C80] =	vst v63  }
0x7e: {  	_ =	swait.ge [sflag:s7], $0x3200  }
0x7f: {  	s20 =	sadd.s32 s16, s25;
	p0 =	seq.s32 s16, $0x60E00;
	[sflag:s7] =	ssyncset.done $0x0  }
0x80: {  	s21 =	simm.s32 $0x3E80;
	s18 =	simm.s32 @!p0 $0x9;
	[sflag:s7] =	ssyncadd.s32 $0xFFFFCE00  }
0x81: {  	[hbm4b:s20+s3] =	stream.linear.scatter [tilespmem:s21], [sflag:$0xA], $0x3200, $0x38;
	[tilespmem:$0x19C80] =	vst v63  }
0x82: {  	_ =	swait.ge @!p0 [sflag:s18], $0x3200  }
0x83: {  	[sflag:s18] =	ssyncset.done @!p0 $0x0  }
0x84: {  	s19 =	simm.s32 @!p0 $0x0;
	[sflag:s18] =	ssyncadd.s32 @!p0 $0xFFFFCE00;
	s18 =	sadd.s32 @!p0 s17, s24  }
0x85: {  	[tilespmem:s19], [sflag:$0x11] =	stream.linear.gather @!p0 [hbm4b:s18+s19], $0x190, $0x38;
	[tilespmem:$0x19C80] =	vst v63  }
0x86: {  	s18 =	simm.s32 @!p0 $0x11  }
0x87: {  	_ =	swait.ge @!p0 [sflag:s18], $0x190  }
0x88: {  	[sflag:s18] =	ssyncset.done @!p0 $0x0  }
0x89: {  	s20 =	simm.s32 @!p0 $0x190;
	s21 =	simm.s32 @!p0 $0xC80;
	[sflag:s18] =	ssyncadd.s32 @!p0 $0xFFFFFE70  }
0x8a: {  	[tilespmem:s21], [sflag:$0x1] =	stream.indirect.gather @!p0 [hbm4b:s4+s20], $0x20, s19, s20, $0xb8;
	[tilespmem:$0x19C80] =	vst v63  }
0x8b: {  	_ =	swait.ge [sflag:s9], $0x3200  }
0x8c: {  	[sflag:s9] =	ssyncset.done $0x0  }
0x8d: {  	s22 =	simm.s32 $0x7080;
	s21 =	sadd.s32 s16, s23;
	[sflag:s9] =	ssyncadd.s32 $0xFFFFCE00  }
0x8e: {  	[hbm4b:s21+s3] =	stream.linear.scatter [tilespmem:s22], [sflag:$0xB], $0x3200, $0x38;
	[tilespmem:$0x19C80] =	vst v63  }
0x8f: {  	s21 =	simm.s32 @!p0 $0xA  }
0x90: {  	_ =	swait.ge @!p0 [sflag:s21], $0x3200  }
0x91: {  	[sflag:s21] =	ssyncset.done @!p0 $0x0  }
0x92: {  	[sflag:s21] =	ssyncadd.s32 @!p0 $0xFFFFCE00;
	s21 =	rddreg [dreg:$0x14]  }
0x93: {  	s21 =	sadd.s32 @!p0 s17, s21  }
0x94: {  	[tilespmem:s20], [sflag:$0x11] =	stream.linear.gather @!p0 [hbm4b:s21+s19], $0x190, $0x38;
	[tilespmem:$0x19C80] =	vst v63  }
0x95: {  	_ =	swait.ge @!p0 [sflag:s18], $0x190  }
0x96: {  	[sflag:s18] =	ssyncset.done @!p0 $0x0  }
0x97: {  	s21 =	simm.s32 @!p0 $0x3E80;
	[sflag:s18] =	ssyncadd.s32 @!p0 $0xFFFFFE70  }
0x98: {  	[tilespmem:s21], [sflag:$0x2] =	stream.indirect.gather @!p0 [hbm4b:s4+s20], $0x20, s20, s20, $0xb8;
	[tilespmem:$0x19C80] =	vst v63  }
0x99: {  	_ =	swait.ge [sflag:s10], $0x3200  }
0x9a: {  	[sflag:s10] =	ssyncset.done $0x0;
	s22 =	rddreg [dreg:$0x13]  }
0x9b: {  	[sflag:s10] =	ssyncadd.s32 $0xFFFFCE00;
	s21 =	sadd.s32 s16, s22;
	s22 =	simm.s32 $0xA280  }
0x9c: {  	[hbm4b:s21+s3] =	stream.linear.scatter [tilespmem:s22], [sflag:$0xC], $0x3200, $0x38;
	[tilespmem:$0x19C80] =	vst v63  }
0x9d: {  	s21 =	simm.s32 @!p0 $0xB  }
0x9e: {  	_ =	swait.ge @!p0 [sflag:s21], $0x3200  }
0x9f: {  	[sflag:s21] =	ssyncset.done @!p0 $0x0  }
0xa0: {  	[sflag:s21] =	ssyncadd.s32 @!p0 $0xFFFFCE00;
	s21 =	rddreg [dreg:$0x12]  }
0xa1: {  	s22 =	simm.s32 @!p0 $0x320;
	s21 =	sadd.s32 @!p0 s17, s21  }
0xa2: {  	[tilespmem:s22], [sflag:$0x11] =	stream.linear.gather @!p0 [hbm4b:s21+s19], $0x190, $0x38;
	[tilespmem:$0x19C80] =	vst v63  }
0xa3: {  	_ =	swait.ge @!p0 [sflag:s18], $0x190  }
0xa4: {  	[sflag:s18] =	ssyncset.done @!p0 $0x0  }
0xa5: {  	s21 =	simm.s32 @!p0 $0x7080;
	[sflag:s18] =	ssyncadd.s32 @!p0 $0xFFFFFE70  }
0xa6: {  	[tilespmem:s21], [sflag:$0x3] =	stream.indirect.gather @!p0 [hbm4b:s4+s20], $0x20, s22, s20, $0xb8;
	[tilespmem:$0x19C80] =	vst v63  }
0xa7: {  	_ =	swait.ge [sflag:s28], $0x3200  }
0xa8: {  	[sflag:s28] =	ssyncset.done $0x0;
	s22 =	rddreg [dreg:$0x11]  }
0xa9: {  	[sflag:s28] =	ssyncadd.s32 $0xFFFFCE00;
	s21 =	sadd.s32 s16, s22;
	s22 =	simm.s32 $0xD480  }
0xaa: {  	[hbm4b:s21+s3] =	stream.linear.scatter [tilespmem:s22], [sflag:$0xD], $0x3200, $0x38;
	[tilespmem:$0x19C80] =	vst v63  }
0xab: {  	s21 =	simm.s32 @!p0 $0xC  }
0xac: {  	_ =	swait.ge @!p0 [sflag:s21], $0x3200  }
0xad: {  	[sflag:s21] =	ssyncset.done @!p0 $0x0  }
0xae: {  	[sflag:s21] =	ssyncadd.s32 @!p0 $0xFFFFCE00;
	s21 =	rddreg [dreg:$0x10]  }
0xaf: {  	s22 =	simm.s32 @!p0 $0x4B0;
	s21 =	sadd.s32 @!p0 s17, s21  }
0xb0: {  	[tilespmem:s22], [sflag:$0x11] =	stream.linear.gather @!p0 [hbm4b:s21+s19], $0x190, $0x38;
	[tilespmem:$0x19C80] =	vst v63  }
0xb1: {  	_ =	swait.ge @!p0 [sflag:s18], $0x190  }
0xb2: {  	[sflag:s18] =	ssyncset.done @!p0 $0x0  }
0xb3: {  	s21 =	simm.s32 @!p0 $0xA280;
	[sflag:s18] =	ssyncadd.s32 @!p0 $0xFFFFFE70  }
0xb4: {  	[tilespmem:s21], [sflag:$0x4] =	stream.indirect.gather @!p0 [hbm4b:s4+s20], $0x20, s22, s20, $0xb8;
	[tilespmem:$0x19C80] =	vst v63  }
0xb5: {  	_ =	swait.ge [sflag:s11], $0x3200  }
0xb6: {  	[sflag:s11] =	ssyncset.done $0x0;
	s22 =	rddreg [dreg:$0xf]  }
0xb7: {  	[sflag:s11] =	ssyncadd.s32 $0xFFFFCE00;
	s21 =	sadd.s32 s16, s22  }
0xb8: {  	[hbm4b:s21+s3] =	stream.linear.scatter [tilespmem:s30], [sflag:$0xE], $0x3200, $0x38;
	[tilespmem:$0x19C80] =	vst v63  }
0xb9: {  	s21 =	simm.s32 @!p0 $0xD  }
0xba: {  	_ =	swait.ge @!p0 [sflag:s21], $0x3200  }
0xbb: {  	[sflag:s21] =	ssyncset.done @!p0 $0x0  }
0xbc: {  	[sflag:s21] =	ssyncadd.s32 @!p0 $0xFFFFCE00;
	s21 =	rddreg [dreg:$0xe]  }
0xbd: {  	s22 =	simm.s32 @!p0 $0x640;
	s21 =	sadd.s32 @!p0 s17, s21  }
0xbe: {  	[tilespmem:s22], [sflag:$0x11] =	stream.linear.gather @!p0 [hbm4b:s21+s19], $0x190, $0x38;
	[tilespmem:$0x19C80] =	vst v63  }
0xbf: {  	_ =	swait.ge @!p0 [sflag:s18], $0x190  }
0xc0: {  	[sflag:s18] =	ssyncset.done @!p0 $0x0  }
0xc1: {  	[sflag:s18] =	ssyncadd.s32 @!p0 $0xFFFFFE70;
	s18 =	simm.s32 @!p0 $0xD480  }
0xc2: {  	[tilespmem:s18], [sflag:$0x5] =	stream.indirect.gather @!p0 [hbm4b:s4+s20], $0x20, s22, s20, $0xb8;
	[tilespmem:$0x19C80] =	vst v63  }
.Ltmp2:
0xc3: {  	_ = 	snop;
	(pc) =	sbr.rel @p0 .LBB2_4-.Ltmp2, $4  }
0xc4: {  	_ =	swait.ge [sflag:s13], $0x3200  }
0xc5: {  	[sflag:s13] =	ssyncset.done $0x0;
	s22 =	rddreg [dreg:$0xd]  }
0xc6: {  	[sflag:s13] =	ssyncadd.s32 $0xFFFFCE00;
	s18 =	sadd.s32 s16, s22  }
0xc7: {  	[hbm4b:s18+s3] =	stream.linear.scatter [tilespmem:s5], [sflag:$0xF], $0x3200, $0x38;
	[tilespmem:$0x19C80] =	vst v63  }
0xc8: {  	_ =	swait.ge [sflag:s12], $0x3200  }
0xc9: {  	[sflag:s12] =	ssyncset.done $0x0;
	s18 =	rddreg [dreg:$0xc]  }
0xca: {  	[sflag:s12] =	ssyncadd.s32 $0xFFFFCE00;
	s18 =	sadd.s32 s17, s18  }
0xcb: {  	[tilespmem:s29], [sflag:$0x11] =	stream.linear.gather [hbm4b:s18+s3], $0x190, $0x38;
	[tilespmem:$0x19C80] =	vst v63  }
0xcc: {  	_ =	swait.ge [sflag:s1], $0x190  }
0xcd: {  	[sflag:s1] =	ssyncset.done $0x0  }
0xce: {  	[sflag:s1] =	ssyncadd.s32 $0xFFFFFE70  }
0xcf: {  	[tilespmem:s30], [sflag:$0x6] =	stream.indirect.gather [hbm4b:s4+s0], $0x20, s29, s0, $0xb8;
	[tilespmem:$0x19C80] =	vst v63  }
0xd0: {  	_ =	swait.ge [sflag:s14], $0x3200  }
0xd1: {  	[sflag:s14] =	ssyncset.done $0x0;
	s21 =	rddreg [dreg:$0x9]  }
0xd2: {  	[sflag:s14] =	ssyncadd.s32 $0xFFFFCE00;
	s18 =	sadd.s32 s16, s21  }
0xd3: {  	[hbm4b:s18+s3] =	stream.linear.scatter [tilespmem:s2], [sflag:$0x10], $0x3200, $0x38;
	[tilespmem:$0x19C80] =	vst v63  }
0xd4: {  	_ =	swait.ge [sflag:s15], $0x3200  }
0xd5: {  	[sflag:s15] =	ssyncset.done $0x0;
	s22 =	rddreg [dreg:$0xb]  }
0xd6: {  	[sflag:s15] =	ssyncadd.s32 $0xFFFFCE00;
	s18 =	sadd.s32 s17, s22  }
0xd7: {  	[tilespmem:s8], [sflag:$0x11] =	stream.linear.gather [hbm4b:s18+s3], $0x190, $0x38;
	[tilespmem:$0x19C80] =	vst v63  }
.Ltmp3:
0xd8: {  	_ = 	snop;
	(pc) =	sbr.rel .LBB2_2-.Ltmp3, $4  }
0xd9: {  	_ =	swait.ge [sflag:s1], $0x190  }
0xda: {  	[sflag:s1] =	ssyncset.done $0x0  }
0xdb: {  	s16 =	sadd.s32 $0x3200, s16;
	s17 =	sadd.s32 $0x190, s17;
	[sflag:s1] =	ssyncadd.s32 $0xFFFFFE70  }
0xdc: {  	[tilespmem:s5], [sflag:$0x7] =	stream.indirect.gather [hbm4b:s4+s0], $0x20, s8, s0, $0xb8;
	[tilespmem:$0x19C80] =	vst v63  }
.LBB2_5:
0xdd: {  	_ =	sfence.sel $0x180000  }
0xde: {  	[bflag:$0x0] =	sbarrier.arrive $0xFFFF  }
0xdf: {  	_ =	strace $0x90000047  }
0xe0: {  	s0 =	stileid.u32;
	[bflag:$0x2] =	sbarrier.arrive $0xFFFF  }
0xe1: {  	p0 =	sne.s32 s0, $0x0;
	s0 =	rddreg [dreg:$0x2]  }
0xe2: {  	s0 =	sadd.s32 @!p0 $0x100000, s0  }
0xe3: {  	[sflag:s0] =	ssyncadd.tile.s32 @!p0 $0x1;
	_ =	shalt  }
.Lfunc_end2:
_tile_overlayer_lowered:
.L_overlay_start_2:
0xe4: {  	(tag) =	ssettag $0x2  }
0xe5: {  	s0 =	rddreg [dreg:$0x0];
	s2 =	stileid.u32  }
0xe6: {  	s1 =	rddreg [dreg:$0x1];
	p0 =	sne.s32 s2, $0x0  }
0xe7: {  	s3 =	rddreg [dreg:$0x2];
	[bflag:$0x3] =	sbarrier.arrive $0xFFFF;
	s2 =	simm.s32 @!p0 $0x1C11  }
0xe8: {  	[timem:s3], [sflag:s2] =	dma.local @!p0 [hbm:s0], s1  }
0xe9: {  	s0 =	simm.s32 @!p0 $0x11  }
0xea: {  	_ =	swait.ge @!p0 [sflag:s0], s1  }
0xeb: {  	s1 =	ssub.s32 @!p0 $0x0, s1;
	[sflag:s0] =	ssyncset.done @!p0 $0x0  }
0xec: {  	[sflag:s0] =	ssyncadd.s32 @!p0 s1  }
0xed: {  	[bflag:$0x3] =	sbarrier.arrive $0xFFFF  }
0xee: {  	_ =	shalt  }

// kernel: sparse-core-data-format-call.cloned.1.call-start
scs
called_computation_lowered:
.L_overlay_start_0:
0x0: {  	s2 =	sld [smem:$0x3FD9]  }
0x1: {  	s3 =	sld [smem:$0x3FFE];
	_ =	sdelay $0x1  }
0x2: {  	s1 =	srdreg.scid  }
0x3: {  	s0 =	sand.u32 $0x1, s1  }
0x4: {  	s18 =	sshll.u32 s0, $0xA;
	s2 =	sadd.s32 s3, s2  }
0x5: {  	s2 =	sadd.s32 s2, s18  }
0x6: {  	[smem:$0x3FC6] =	sst s2  }
0x7: {  	_ = 	snop  }
0x8: {  	s2 =	sld [smem:$0x3FD0];
	(tm) =	ssettm $0x1  }
0x9: {  	s19 =	sld [smem:$0x3FFB];
	_ =	sdelay $0x3  }
0xa: {  	_ =	strace s19  }
0xb: {  	s3 =	sld [smem:$0x3FFC];
	_ =	sdelay $0x3  }
0xc: {  	_ =	strace s3  }
0xd: {  	s3 =	sld [smem:$0x3FFD];
	_ =	sdelay $0x3  }
0xe: {  	_ =	strace s3  }
0xf: {  	_ =	strace $0x8FFFFFFF  }
0x10: {  	s20 =	sld [smem:$0x3FDB];
	_ =	sdelay $0x1  }
0x11: {  	s4 =	simm.s32 $_scs_section_size  }
0x12: {  	s5 =	simm.s32 $_size__tile_overlayer_lowered;
	s6 =	simm.s32 $_tile_overlayer_lowered  }
0x13: {  	s23 =	simm.s32 $0x1BFF;
	s22 =	sshll.u32 s6, $0x1;
	s3 =	sadd.s32 s4, s20  }
0x14: {  	s7 =	simm.s32 $0x0;
	s21 =	sshll.u32 s5, $0x1;
	s5 =	sadd.s32 s22, s3  }
0x15: {  	[timem:s7], [sflag:s23] =	dma.local [hbm:s5], s21  }
0x16: {  	_ =	swait.ge [sflag:s23], s21  }
0x17: {  	s4 =	ssub.s32 $0x0, s21;
	[sflag:s23] =	ssyncset.done $0x0  }
0x18: {  	[sflag:s23] =	ssyncadd.s32 s4;
	_ =	sdelay $0x1  }
0x19: {  	s24 =	simm.s32 $0x1B8B  }
0x1a: {  	_ =	swait.ge [sflag:s24], $0x1  }
0x1b: {  	[sflag:s24] =	ssyncset.done $0x0  }
0x1c: {  	s26 =	simm.s32 $0x1B8E;
	s25 =	sld [smem:$0x3FFE];
	[sflag:s24] =	ssyncadd.s32 $0xFFFFFFFF  }
0x1d: {  	s27 =	simm.s32 $execute0_lowered;
	[smem:$0x3FD2] =	sst s26  }
0x1e: {  	s5 =	sshll.u32 s27, $0x1;
	_ =	strace $0x80000049;
	[dreg:$0x1] =	wrdreg $0xFFFFFFFF  }
0x1f: {  	s28 =	simm.s32 $_size_execute0_lowered;
	s3 =	sadd.s32 s3, s5;
	[dreg:$0x0] =	wrdreg $0x0  }
0x20: {  	s5 =	sshll.u32 s28, $0x1;
	[dreg:$0x2] =	wrdreg s3  }
0x21: {  	[dreg:$0x3] =	wrdreg s5  }
0x22: {  	[dreg:$0x4] =	wrdreg $0xC0  }
0x23: {  	_ =	task [dreg:s7], $0x5FFFF  }
0x24: {  	[dreg:$0x1] =	wrdreg $0xFFFFFFFF  }
0x25: {  	[dreg:$0x0] =	wrdreg $0x60  }
0x26: {  	[dreg:$0x2] =	wrdreg s25  }
0x27: {  	[dreg:$0x3] =	wrdreg s2  }
0x28: {  	[dreg:$0x4] =	wrdreg $0x9  }
0x29: {  	_ =	task.clear_ibuf [dreg:s7], $0x5FFFF;
	_ =	strace $0x90000049  }
0x2a: {  	s29 =	simm.s32 $0x9;
	_ =	strace $0x8000004B  }
0x2b: {  	_ =	swait.ge [sflag:s29], $0x1  }
0x2c: {  	[sflag:s29] =	ssyncadd.s32 $0xFFFFFFFF  }
0x2d: {  	_ =	strace $0x9000004B  }
0x2e: {  	_ =	sfence  }
0x2f: {  	s30 =	sld [smem:$0x0];
	_ =	sdelay $0x2  }
0x30: {  	s31 =	sshll.u32 s1, $0xD;
	s1 =	sshrl.u32 s1, $0x2  }
0x31: {  	s3 =	sand.u32 $0x4000, s31;
	s1 =	sadd.s32 s1, s30  }
0x32: {  	s0 =	sor.u32 s3, s0;
	s1 =	sshll.u32 s1, $0x11  }
0x33: {  	s0 =	sor.u32 s1, s0  }
0x34: {  	s0 =	sadd.s32 $0x8F2B, s0  }
0x35: {  	[sflag:s0] =	ssyncadd.remote.s32 $0x1  }
0x36: {  	_ =	sfence.sel $0xFFFF  }
0x37: {  	[dreg:$0x0] =	wrdreg $0xFFFFFFFF;
	(pc) =	sbr.abs _section_cstart, $3  }
0x38: {  	[dreg:$0x1] =	wrdreg $0xFFFFFFFF  }
0x39: {  	_ =	task.clear_ibuf [dreg:s7], $0x2FFFF;
	_ =	strace $0x9FFFFFFF  }
0x3a: {  	(tm) =	ssettm $0x7FFFFFFF  }
0x3b: {  	_ =	shalt  }
tec
execute0_lowered:
.L_overlay_start_1:
0x0: {  	(tag) =	ssettag $0x1  }
0x1: {  	s0 =	srdreg.scid  }
0x2: {  	s1 =	sshll.u32 s0, $0x4  }
0x3: {  	s0 =	stileid.u32;
	s1 =	sand.u32 $0x10, s1  }
0x4: {  	s1 =	sor.u32 s0, s1  }
0x5: {  	s6 =	rddreg [dreg:$0x0];
	s4 =	simm.s32 $0x1;
	s2 =	sshll.u32 s1, $0x7  }
0x6: {  	s7 =	simm.s32 $0x2;
	s12 =	simm.s32 $0x0;
	s1 =	ssub.s32 $0x4000, s2  }
0x7: {  	s8 =	simm.s32 $0x20000;
	s13 =	simm.s32 $0x0;
	s3 =	sand.u32 $0xF80, s1  }
0x8: {  	s9 =	simm.s32 $0x0;
	s5 =	sshrl.u32 s1, $0xC;
	p0 =	sne.s32 s3, $0x0  }
.Ltmp0:
0x9: {  	s1 =	rddreg [dreg:$0x2];
	s4 =	simm.s32 @!p0 $0x0;
	(pc) =	sbr.rel .LBB1_1-.Ltmp0, $4  }
0xa: {  	s11 =	simm.s32 $0x0;
	s3 =	rddreg [dreg:$0x1];
	s5 =	sadd.s32 s4, s5  }
0xb: {  	_ =	strace $0x8000004A;
	s4 =	simm.s32 $0x1;
	s5 =	smul.u32 $0xC8, s5  }
0xc: {  	s6 =	sadd.s32 $0x800, s6;
	s10 =	smov.u32 s2;
	[sflag:s4] =	ssyncpa.u1 $0x0  }
0xd: {  	p0 =	por $0x0, $0x0;
	[sflag:s7] =	ssyncpa.u1 $0x0;
	s7 =	sor.u32 $0x1, s5  }
.LBB1_4:
0xe: {  	s16 =	sshll.u32 s13, $0x3;
	s17 =	sand.u32 $0x78, s13  }
0xf: {  	s30 =	sand.u32 $0xF800, s13;
	s12 =	sshll.u32 s12, $0x10;
	s16 =	sand.u32 $0x3C00, s16  }
0x10: {  	s31 =	sand.u32 $0x7, s13;
	s16 =	sor.u32 s17, s16;
	s17 =	sadd.s32 s3, s30  }
0x11: {  	s13 =	sshll.u32 s31, $0x12;
	s16 =	sshrl.u32 s16, $0x3;
	s12 =	sadd.s32 s12, s17  }
0x12: {  	[tilespmem:s15+$0x0 ss:$0x81] =	vst.msk $0xffff, v0;
	s13 =	sor.u32 $0x400, s13;
	s12 =	sadd.s32 s16, s12  }
0x13: {  	[hbm4b:s12+s13] =	stream.strided.scatter [tilespmem:s14], [sflag:$0x2], $0x1000, s8, s13, $0x20;
	[tilespmem:$0x4040] =	vst v63  }
.LBB1_5:
0x14: {  	s14 =	sadd.s32 $0x1, s9  }
0x15: {  	s12 =	sadd.s32 $0x1000, s10;
	s16 =	smov.u32 s10;
	p2 =	sgt.s32 s14, $0xC7  }
0x16: {  	s16 =	smov.u32 @p2 s12  }
0x17: {  	s14 =	simm.s32 @p2 $0x0;
	p2 =	sgt.s32 s16, $0x3FFF  }
0x18: {  	s16 =	smov.u32 @p2 s2;
	p2 =	sne.s32 s11, s7  }
.Ltmp1:
0x19: {  	p1 =	slt.u32 s11, $0x2;
	(pc) =	sbr.rel @!p2 .LBB1_6-.Ltmp1, $4  }
0x1a: {  	s15 =	simm.s32 @!p1 $0x2  }
0x1b: {  	s13 =	smov.u32 s10;
	p0 =	por !p0, !p0;
	_ =	swait.ge @!p1 [sflag:s15], $0x1000  }
0x1c: {  	s12 =	smov.u32 s9;
	[sflag:s15] =	ssyncset.done @!p1 $0x0;
	s9 =	smov.u32 s14  }
0x1d: {  	s11 =	sadd.s32 $0x1, s11;
	[sflag:s15] =	ssyncadd.s32 @!p1 $0xFFFFF000;
	s10 =	smov.u32 s16  }
.LBB1_1:
0x1e: {  	p1 =	sge.u32 s11, s5  }
0x1f: {  	s14 =	sand.u32 @!p1 $0x1FFFFFF, s9  }
0x20: {  	s15 =	smulhi.u32 @!p1 $0x147AE15, s14;
	_ =	sdelay $0x1  }
0x21: {  	s15 =	smul.u32 @!p1 $0xC8, s15  }
0x22: {  	s16 =	sxor.u32 @!p1 $0xFFFFFFFF, s11;
	s17 =	smul.u32 @!p1 $0xC80, s10  }
0x23: {  	s31 =	sadd.s32 $0xFFFFFFFF, s11;
	s16 =	sshll.u32 @!p1 s16, $0xC;
	s14 =	ssub.s32 @!p1 s14, s15  }
0x24: {  	s15 =	sand.u32 @!p1 $0x1000, s16;
	s16 =	sadd.s32 @!p1 s6, s17;
	s14 =	sshll.u32 @!p1 s14, $0x4  }
0x25: {  	s17 =	simm.s32 @!p1 $0x6400;
	s14 =	sadd.s32 @!p1 s14, s16;
	s16 =	simm.s32 @!p1 $0x20  }
0x26: {  	[tilespmem:s15], [sflag:$0x1] =	stream.strided.gather @!p1 [hbm4b:s14+s16], $0x1000, s17, s16, $0x38;
	[tilespmem:$0x4040] =	vst v63  }
0x27: {  	p1 =	sge.u32 s31, s5  }
.Ltmp2:
0x28: {  	_ = 	snop;
	(pc) =	sbr.rel @p1 .LBB1_5-.Ltmp2, $1  }
0x29: {  	_ =	sdelay $0x3  }
0x2a: {  	s14 =	simm.s32 $0x1  }
0x2b: {  	_ =	swait.ge [sflag:s4], $0x1000;
	s14 =	simm.s32 @!p0 $0x0  }
0x2c: {  	[sflag:s4] =	ssyncset.done $0x0;
	s15 =	sshll.u32 s14, $0xC  }
0x2d: {  	[sflag:s4] =	ssyncadd.s32 $0xFFFFF000;
	s18 =	sor.u32 $0x10, s15  }
0x2e: {  	s14 =	smul.u32 $0x4080, s14;
	v1 =	vld [tilespmem:s18+$0x0]  }
0x2f: {  	s30 =	sand.u32 $0x1, s11;
	v0 =	vld [tilespmem:s18+$0xFFFFFFF0]  }
0x30: {  	s15 =	smul.u32 $0x4080, s30;
	s14 =	sshrl.u32 s14, $0x2  }
0x31: {  	s16 =	sor.u32 $0x2000, s14  }
0x32: {  	s31 =	sshrl.u32 s15, $0x2;
	s15 =	sadd.s32 $0x0, s16  }
0x33: {  	s17 =	simm.s32 $0x4;
	s18 =	sadd.s32 $0x20, s18;
	s14 =	sor.u32 $0x2000, s31;
	[tilespmem:s15+$0x810 ss:$0x81] =	vst.msk $0xffff, v1  }
.LBB1_3:
0x34: {  	v1 =	vld [tilespmem:s18+$0x0];
	p1 =	sne.s32 s17, $0x1FC;
	[tilespmem:s15+$0x0 ss:$0x81] =	vst.msk $0xffff, v0;
	s15 =	smov.u32 s17;
	s17 =	sadd.s32 $0x4, s17  }
.Ltmp3:
0x35: {  	v0 =	vld [tilespmem:s18+$0xFFFFFFF0];
	(pc) =	sbr.rel @p1 .LBB1_3-.Ltmp3, $4  }
0x36: {  	_ = 	snop  }
0x37: {  	s15 =	sshra.s32 s15, $0x2  }
0x38: {  	s15 =	sadd.s32 s15, s16  }
0x39: {  	s18 =	sadd.s32 $0x20, s18;
	[tilespmem:s15+$0x810 ss:$0x81] =	vst.msk $0xffff, v1  }
.Ltmp4:
0x3a: {  	_ = 	snop;
	(pc) =	sbr.rel .LBB1_4-.Ltmp4, $1  }
0x3b: {  	_ =	sdelay $0x3  }
.LBB1_6:
0x3c: {  	_ =	sfence.sel $0x180000  }
0x3d: {  	s2 =	simm.s32 $0x1;
	[bflag:$0x0] =	sbarrier.arrive $0xFFFF  }
0x3e: {  	s31 =	simm.s32 $0x2;
	[sflag:s2] =	ssyncpa.u1 $0x1  }
0x3f: {  	[sflag:s31] =	ssyncpa.u1 $0x1  }
0x40: {  	p0 =	sne.s32 s0, $0x0;
	_ =	strace $0x9000004A  }
0x41: {  	s0 =	sadd.s32 @!p0 $0x100000, s1;
	[bflag:$0x2] =	sbarrier.arrive $0xFFFF  }
0x42: {  	[sflag:s0] =	ssyncadd.tile.s32 @!p0 $0x1;
	_ =	shalt  }
.Lfunc_end1:
_tile_overlayer_lowered:
.L_overlay_start_2:
0x43: {  	(tag) =	ssettag $0x2  }
0x44: {  	s0 =	rddreg [dreg:$0x0];
	s2 =	stileid.u32  }
0x45: {  	s1 =	rddreg [dreg:$0x1];
	p0 =	sne.s32 s2, $0x0  }
0x46: {  	s3 =	rddreg [dreg:$0x2];
	[bflag:$0x3] =	sbarrier.arrive $0xFFFF;
	s2 =	simm.s32 @!p0 $0x1C01  }
0x47: {  	[timem:s3], [sflag:s2] =	dma.local @!p0 [hbm:s0], s1  }
0x48: {  	s0 =	simm.s32 @!p0 $0x1  }
0x49: {  	_ =	swait.ge @!p0 [sflag:s0], s1  }
0x4a: {  	s1 =	ssub.s32 @!p0 $0x0, s1;
	[sflag:s0] =	ssyncset.done @!p0 $0x0  }
0x4b: {  	[sflag:s0] =	ssyncadd.s32 @!p0 s1  }
0x4c: {  	[bflag:$0x3] =	sbarrier.arrive $0xFFFF  }
0x4d: {  	_ =	shalt  }

</sc_bundles>
